<compile_context>
chip_gen: v7x
topology: tpu7x:2x2x1
jax: 0.10.2.dev20260603
libtpu: 0.0.44.dev20260713+nightly
codegen_flags: <defaults>
</compile_context>

<pallas_src>
import functools

import jax
import jax.numpy as jnp
from jax import lax
from jax.experimental import pallas as pl
from jax.experimental.pallas import tpu as pltpu
from jax.experimental.pallas import tpu_sc as plsc

N = 10000
E = 320000
D = 128

NC = 2
NS = 16
NW = NC * NS
EPW = E // NW
CH = 80
NCHUNK = EPW // CH
RPT = 624
REM = N - NS * RPT
REM_OFF = NS * RPT
ZR = 64


def _sc_partials(feature, edges):
    mesh = plsc.VectorSubcoreMesh(core_axis_name="c", subcore_axis_name="s")

    @functools.partial(
        pl.kernel,
        mesh=mesh,
        out_type=jax.ShapeDtypeStruct((NC * N, D), jnp.float32),
        scratch_types=[
            pltpu.VMEM_SHARED((N, D), jnp.float32),
            pltpu.VMEM((EPW,), jnp.int32),
            [pltpu.VMEM((CH,), jnp.int32)] * 3,
            [pltpu.VMEM((CH, D), jnp.float32)] * 3,
            pltpu.VMEM((ZR, D), jnp.float32),
            [pltpu.SemaphoreType.DMA] * 3,
            [pltpu.SemaphoreType.DMA] * 3,
        ],
    )
    def k(feat_hbm, edges_hbm, out_hbm, agg_sh,
          sidx, didxs, rowss, zbuf, gsems, dsems):
        cid = lax.axis_index("c")
        sid = lax.axis_index("s")
        wid = sid * NC + cid
        base0 = wid * EPW
        r0 = sid * RPT

        pltpu.sync_copy(edges_hbm.at[pl.ds(base0, EPW)], sidx)

        def start(j, b):
            off = pl.multiple_of(j * CH, 8)
            pltpu.make_async_copy(
                edges_hbm.at[pl.ds(E + base0 + off, CH)], didxs[b],
                dsems[b]).start()
            pltpu.make_async_copy(
                feat_hbm.at[sidx.at[pl.ds(off, CH)]], rowss[b], gsems[b]).start()

        def finish(j, b):
            off = pl.multiple_of(j * CH, 8)
            pltpu.make_async_copy(
                feat_hbm.at[sidx.at[pl.ds(off, CH)]], rowss[b], gsems[b]).wait()
            pltpu.make_async_copy(
                edges_hbm.at[pl.ds(E + base0 + off, CH)], didxs[b],
                dsems[b]).wait()
            pltpu.sync_copy(rowss[b], agg_sh.at[didxs[b]], add=True)

        start(0, 0)
        start(1, 1)

        def zbody(r, carry):
            z = jnp.zeros((16,), jnp.float32)
            for c in range(D // 16):
                zbuf[r, pl.ds(c * 16, 16)] = z
            return carry

        lax.fori_loop(0, ZR, zbody, 0)
        for t in range(RPT // ZR):
            pltpu.sync_copy(zbuf, agg_sh.at[pl.ds(r0 + t * ZR, ZR)])
        ZREM = RPT % ZR
        if ZREM:
            pltpu.sync_copy(zbuf.at[pl.ds(0, ZREM)],
                            agg_sh.at[pl.ds(r0 + RPT - ZREM, ZREM)])

        @pl.when(sid == NS - 1)
        def _():
            pltpu.sync_copy(zbuf.at[pl.ds(0, REM)],
                            agg_sh.at[pl.ds(REM_OFF, REM)])

        plsc.subcore_barrier()

        def body(g, carry):
            j = 3 * g
            start(j + 2, 2)
            finish(j, 0)
            start(j + 3, 0)
            finish(j + 1, 1)
            start(j + 4, 1)
            finish(j + 2, 2)
            return carry

        lax.fori_loop(0, (NCHUNK - 2) // 3, body, 0)
        finish(NCHUNK - 2, 0)
        finish(NCHUNK - 1, 1)
        plsc.subcore_barrier()

        o0 = cid * N + r0
        pltpu.sync_copy(agg_sh.at[pl.ds(r0, RPT)], out_hbm.at[pl.ds(o0, RPT)])

        @pl.when(sid == NS - 1)
        def _():
            pltpu.sync_copy(agg_sh.at[pl.ds(REM_OFF, REM)],
                            out_hbm.at[pl.ds(cid * N + REM_OFF, REM)])

    return k(feature, edges)


def _tc_linear(parts, feature, W, b2d):
    BLK = 2000
    NB = N // BLK

    def body(p0_ref, p1_ref, f_ref, w_ref, b_ref, o_ref):
        h = p0_ref[...] + p1_ref[...] + f_ref[...]
        o_ref[...] = lax.dot_general(
            h, w_ref[...], (((1,), (1,)), ((), ())),
            preferred_element_type=jnp.float32,
        ) + b_ref[...]

    return pl.pallas_call(
        body,
        grid=(NB,),
        in_specs=[
            pl.BlockSpec((BLK, D), lambda i: (i, 0)),
            pl.BlockSpec((BLK, D), lambda i: (i + NB, 0)),
            pl.BlockSpec((BLK, D), lambda i: (i, 0)),
            pl.BlockSpec((D, D), lambda i: (0, 0)),
            pl.BlockSpec((1, D), lambda i: (0, 0)),
        ],
        out_specs=pl.BlockSpec((BLK, D), lambda i: (i, 0)),
        out_shape=jax.ShapeDtypeStruct((N, D), jnp.float32),
    )(parts, parts, feature, W, b2d)


@jax.jit
def kernel(feature, edge_index, W, b):
    parts = _sc_partials(feature, edge_index.reshape(2 * E))
    return _tc_linear(parts, feature, W, b.reshape(1, D))

# --- scband reference (transcript-rebuilt; emitter-appended) ---
"""Pipeline reference for scband-gcnlayer-1151051235745 (READ-ONLY COPY).

The authoritative reference and input builder live on the scoring server;
editing this copy changes nothing except your own understanding.
"""

import jax, jax.numpy as jnp
import numpy as np

N = 10000
E = 320000
D_IN = 128
D_OUT = 128


def setup_inputs(seed: int = 0) -> dict:
    key = jax.random.key(seed)
    k1, k2, k3, k4 = jax.random.split(key, 4)
    feature = jax.random.normal(k1, (N, D_IN), dtype=jnp.float32)
    edge_index = jax.random.randint(k2, (2, E), 0, N, dtype=jnp.int32)
    # nn.Linear(in_feats, out_feats): W is [out, in], b is [out]
    bound = 1.0 / np.sqrt(D_IN)
    W = jax.random.uniform(k3, (D_OUT, D_IN), minval=-bound, maxval=bound, dtype=jnp.float32)
    b = jax.random.uniform(k4, (D_OUT,), minval=-bound, maxval=bound, dtype=jnp.float32)
    return {"feature": feature, "edge_index": edge_index, "W": W, "b": b}


def reference(feature, edge_index, W, b):
    # DGL: message = copy_src('h'); reduce = sum(mailbox) + own h; then Linear
    src = edge_index[0]
    dst = edge_index[1]
    msgs = jnp.take(feature, src, axis=0)                       # gather source features [E, D]
    agg = jax.ops.segment_sum(msgs, dst, num_segments=N)        # scatter-add to dst nodes [N, D]
    h = agg + feature                                           # sum(mailbox) + nodes.data['h']
    out = h @ W.T + b                                           # nn.Linear
    return out

if __name__ == "__main__":
    import jax
    _d = setup_inputs()
    print(jax.jit(kernel)(*tuple(_d.values())))

</pallas_src>

<mosaic_0001>
#map = affine_map<(d0, d1) -> (0, 0)>
#map1 = affine_map<(d0, d1) -> (0)>
module attributes {stable_mosaic.version = 14 : i64} {
  func.func @k(%arg0: i32, %arg1: i32, %arg2: memref<10000x128xf32, #tpu.memory_space<hbm>>, %arg3: memref<640000xi32, #tpu.memory_space<hbm>>, %arg4: memref<20000x128xf32, #tpu.memory_space<hbm>>, %arg5: memref<10000x128xf32, #tpu.memory_space<vmem_shared>>, %arg6: memref<10000xi32, #tpu.memory_space<vmem>>, %arg7: memref<80xi32, #tpu.memory_space<vmem>>, %arg8: memref<80xi32, #tpu.memory_space<vmem>>, %arg9: memref<80xi32, #tpu.memory_space<vmem>>, %arg10: memref<80x128xf32, #tpu.memory_space<vmem>>, %arg11: memref<80x128xf32, #tpu.memory_space<vmem>>, %arg12: memref<80x128xf32, #tpu.memory_space<vmem>>, %arg13: memref<64x128xf32, #tpu.memory_space<vmem>>, %arg14: memref<!tpu.dma_semaphore, #tpu.memory_space<semaphore_mem>>, %arg15: memref<!tpu.dma_semaphore, #tpu.memory_space<semaphore_mem>>, %arg16: memref<!tpu.dma_semaphore, #tpu.memory_space<semaphore_mem>>, %arg17: memref<!tpu.dma_semaphore, #tpu.memory_space<semaphore_mem>>, %arg18: memref<!tpu.dma_semaphore, #tpu.memory_space<semaphore_mem>>, %arg19: memref<!tpu.dma_semaphore, #tpu.memory_space<semaphore_mem>>) attributes {dimension_semantics = [#tpu.dimension_semantics<core_parallel>, #tpu.dimension_semantics<subcore_parallel>], iteration_bounds = array<i64: 2, 16>, scalar_prefetch = 0 : i64, scratch_operands = 15 : i64, tpu.core_type = #tpu.core_type<sc_vector_subcore>, window_params = [{transform_indices = #map}, {transform_indices = #map1}, {transform_indices = #map}]} {
    %mul3A = arith.constant 2 : i32
    %mul3A_0 = arith.muli %arg1, %mul3A : i32
    %add3A = arith.addi %mul3A_0, %arg0 : i32
    %mul3A_1 = arith.constant 10000 : i32
    %mul3A_2 = arith.muli %add3A, %mul3A_1 : i32
    %mul3A_3 = arith.constant 624 : i32
    %mul3A_4 = arith.muli %arg1, %mul3A_3 : i32
    "tpu.region"() ({
      %run_scoped3A = tpu.sem_alloc : memref<!tpu.dma_semaphore, #tpu.memory_space<semaphore_mem>>
      %dma_start3A_89 = tpu.memref_slice %arg3[%mul3A_2] : memref<640000xi32, #tpu.memory_space<hbm>> -> memref<10000xi32, #tpu.memory_space<hbm>>
      %dma_start3A_90 = tpu.memref_slice %arg3[%mul3A_2] : memref<640000xi32, #tpu.memory_space<hbm>> -> memref<10000xi32, #tpu.memory_space<hbm>>
      tpu.enqueue_dma source(%dma_start3A_90 : memref<10000xi32, #tpu.memory_space<hbm>>) target(%arg6 : memref<10000xi32, #tpu.memory_space<vmem>>) target_semaphore(%run_scoped3A : memref<!tpu.dma_semaphore, #tpu.memory_space<semaphore_mem>>)
      %dma_wait3A_91 = tpu.memref_slice %arg3[%mul3A_2] : memref<640000xi32, #tpu.memory_space<hbm>> -> memref<10000xi32, #tpu.memory_space<hbm>>
      %dma_wait3A_92 = tpu.memref_slice %arg3[%mul3A_2] : memref<640000xi32, #tpu.memory_space<hbm>> -> memref<10000xi32, #tpu.memory_space<hbm>>
      tpu.wait_dma2 semaphore(%run_scoped3A : memref<!tpu.dma_semaphore, #tpu.memory_space<semaphore_mem>>) src(%dma_wait3A_92 : memref<10000xi32, #tpu.memory_space<hbm>>) dst(%arg6 : memref<10000xi32, #tpu.memory_space<vmem>>)
      tpu.yield
    }) : () -> ()
    %multiple_of3A = arith.constant 0 : i32
    %multiple_of3A_5 = tpu.assume_multiple %multiple_of3A, 8 : i32
    %add3A_6 = arith.constant 320000 : i32
    %add3A_7 = arith.addi %add3A_6, %mul3A_2 : i32
    %add3A_8 = arith.addi %add3A_7, %multiple_of3A_5 : i32
    %dma_start3A = tpu.memref_slice %arg3[%add3A_8] : memref<640000xi32, #tpu.memory_space<hbm>> -> memref<80xi32, #tpu.memory_space<hbm>>
    %dma_start3A_9 = tpu.memref_slice %arg3[%add3A_8] : memref<640000xi32, #tpu.memory_space<hbm>> -> memref<80xi32, #tpu.memory_space<hbm>>
    tpu.enqueue_dma source(%dma_start3A_9 : memref<80xi32, #tpu.memory_space<hbm>>) target(%arg7 : memref<80xi32, #tpu.memory_space<vmem>>) target_semaphore(%arg17 : memref<!tpu.dma_semaphore, #tpu.memory_space<semaphore_mem>>)
    %dma_start3A_10 = tpu.memref_slice %arg6[%multiple_of3A_5] : memref<10000xi32, #tpu.memory_space<vmem>> -> memref<80xi32, #tpu.memory_space<vmem>>
    %dma_start3A_11 = arith.constant 0 : i32
    %dma_start3A_12 = arith.constant 0 : i32
    %dma_start3A_13 = tpu.memref_slice %arg2[%dma_start3A_11, %dma_start3A_12] : memref<10000x128xf32, #tpu.memory_space<hbm>> -> memref<10000x128xf32, #tpu.memory_space<hbm>>
    tpu.enqueue_indirect_dma source(%dma_start3A_13 : memref<10000x128xf32, #tpu.memory_space<hbm>>) target(%arg10 : memref<80x128xf32, #tpu.memory_space<vmem>>) offsets(%dma_start3A_10 : memref<80xi32, #tpu.memory_space<vmem>>) semaphore(%arg14 : memref<!tpu.dma_semaphore, #tpu.memory_space<semaphore_mem>>)
    %multiple_of3A_14 = arith.constant 80 : i32
    %multiple_of3A_15 = tpu.assume_multiple %multiple_of3A_14, 8 : i32
    %add3A_16 = arith.constant 320000 : i32
    %add3A_17 = arith.addi %add3A_16, %mul3A_2 : i32
    %add3A_18 = arith.addi %add3A_17, %multiple_of3A_15 : i32
    %dma_start3A_19 = tpu.memref_slice %arg3[%add3A_18] : memref<640000xi32, #tpu.memory_space<hbm>> -> memref<80xi32, #tpu.memory_space<hbm>>
    %dma_start3A_20 = tpu.memref_slice %arg3[%add3A_18] : memref<640000xi32, #tpu.memory_space<hbm>> -> memref<80xi32, #tpu.memory_space<hbm>>
    tpu.enqueue_dma source(%dma_start3A_20 : memref<80xi32, #tpu.memory_space<hbm>>) target(%arg8 : memref<80xi32, #tpu.memory_space<vmem>>) target_semaphore(%arg18 : memref<!tpu.dma_semaphore, #tpu.memory_space<semaphore_mem>>)
    %dma_start3A_21 = tpu.memref_slice %arg6[%multiple_of3A_15] : memref<10000xi32, #tpu.memory_space<vmem>> -> memref<80xi32, #tpu.memory_space<vmem>>
    %dma_start3A_22 = arith.constant 0 : i32
    %dma_start3A_23 = arith.constant 0 : i32
    %dma_start3A_24 = tpu.memref_slice %arg2[%dma_start3A_22, %dma_start3A_23] : memref<10000x128xf32, #tpu.memory_space<hbm>> -> memref<10000x128xf32, #tpu.memory_space<hbm>>
    tpu.enqueue_indirect_dma source(%dma_start3A_24 : memref<10000x128xf32, #tpu.memory_space<hbm>>) target(%arg11 : memref<80x128xf32, #tpu.memory_space<vmem>>) offsets(%dma_start3A_21 : memref<80xi32, #tpu.memory_space<vmem>>) semaphore(%arg15 : memref<!tpu.dma_semaphore, #tpu.memory_space<semaphore_mem>>)
    %scan3A = arith.constant 0 : i32
    %scan3A_25 = arith.constant 0 : i32
    %scan3A_26 = arith.constant 64 : i32
    %scan3A_27 = arith.addi %scan3A_25, %scan3A_26 : i32
    %scan3A_28 = arith.constant 1 : i32
    scf.for %scan3A_89 = %scan3A_25 to %scan3A_27 step %scan3A_28  : i32 {
      %broadcast_in_dim3A = arith.constant 0.000000e+00 : f32
      %broadcast_in_dim3A_90 = vector.broadcast %broadcast_in_dim3A : f32 to vector<16xf32>
      %swap3A = arith.index_cast %scan3A_89 : i32 to index
      %swap3A_91 = arith.constant 0 : index
      %swap3A_92 = tpu.vector_load %arg13[%swap3A, %swap3A_91] {strides = array<i32>} : memref<64x128xf32, #tpu.memory_space<vmem>>, vector<1x16xf32>,
      %swap3A_93 = vector.shape_cast %swap3A_92 : vector<1x16xf32> to vector<16xf32>
      %swap3A_94 = vector.shape_cast %broadcast_in_dim3A_90 : vector<16xf32> to vector<1x16xf32>
      tpu.vector_store %arg13[%swap3A, %swap3A_91], %swap3A_94 {strides = array<i32>} : memref<64x128xf32, #tpu.memory_space<vmem>>, vector<1x16xf32>,
      %swap3A_95 = arith.index_cast %scan3A_89 : i32 to index
      %swap3A_96 = arith.constant 16 : index
      %swap3A_97 = tpu.vector_load %arg13[%swap3A_95, %swap3A_96] {strides = array<i32>} : memref<64x128xf32, #tpu.memory_space<vmem>>, vector<1x16xf32>,
      %swap3A_98 = vector.shape_cast %swap3A_97 : vector<1x16xf32> to vector<16xf32>
      %swap3A_99 = vector.shape_cast %broadcast_in_dim3A_90 : vector<16xf32> to vector<1x16xf32>
      tpu.vector_store %arg13[%swap3A_95, %swap3A_96], %swap3A_99 {strides = array<i32>} : memref<64x128xf32, #tpu.memory_space<vmem>>, vector<1x16xf32>,
      %swap3A_100 = arith.index_cast %scan3A_89 : i32 to index
      %swap3A_101 = arith.constant 32 : index
      %swap3A_102 = tpu.vector_load %arg13[%swap3A_100, %swap3A_101] {strides = array<i32>} : memref<64x128xf32, #tpu.memory_space<vmem>>, vector<1x16xf32>,
      %swap3A_103 = vector.shape_cast %swap3A_102 : vector<1x16xf32> to vector<16xf32>
      %swap3A_104 = vector.shape_cast %broadcast_in_dim3A_90 : vector<16xf32> to vector<1x16xf32>
      tpu.vector_store %arg13[%swap3A_100, %swap3A_101], %swap3A_104 {strides = array<i32>} : memref<64x128xf32, #tpu.memory_space<vmem>>, vector<1x16xf32>,
      %swap3A_105 = arith.index_cast %scan3A_89 : i32 to index
      %swap3A_106 = arith.constant 48 : index
      %swap3A_107 = tpu.vector_load %arg13[%swap3A_105, %swap3A_106] {strides = array<i32>} : memref<64x128xf32, #tpu.memory_space<vmem>>, vector<1x16xf32>,
      %swap3A_108 = vector.shape_cast %swap3A_107 : vector<1x16xf32> to vector<16xf32>
      %swap3A_109 = vector.shape_cast %broadcast_in_dim3A_90 : vector<16xf32> to vector<1x16xf32>
      tpu.vector_store %arg13[%swap3A_105, %swap3A_106], %swap3A_109 {strides = array<i32>} : memref<64x128xf32, #tpu.memory_space<vmem>>, vector<1x16xf32>,
      %swap3A_110 = arith.index_cast %scan3A_89 : i32 to index
      %swap3A_111 = arith.constant 64 : index
      %swap3A_112 = tpu.vector_load %arg13[%swap3A_110, %swap3A_111] {strides = array<i32>} : memref<64x128xf32, #tpu.memory_space<vmem>>, vector<1x16xf32>,
      %swap3A_113 = vector.shape_cast %swap3A_112 : vector<1x16xf32> to vector<16xf32>
      %swap3A_114 = vector.shape_cast %broadcast_in_dim3A_90 : vector<16xf32> to vector<1x16xf32>
      tpu.vector_store %arg13[%swap3A_110, %swap3A_111], %swap3A_114 {strides = array<i32>} : memref<64x128xf32, #tpu.memory_space<vmem>>, vector<1x16xf32>,
      %swap3A_115 = arith.index_cast %scan3A_89 : i32 to index
      %swap3A_116 = arith.constant 80 : index
      %swap3A_117 = tpu.vector_load %arg13[%swap3A_115, %swap3A_116] {strides = array<i32>} : memref<64x128xf32, #tpu.memory_space<vmem>>, vector<1x16xf32>,
      %swap3A_118 = vector.shape_cast %swap3A_117 : vector<1x16xf32> to vector<16xf32>
      %swap3A_119 = vector.shape_cast %broadcast_in_dim3A_90 : vector<16xf32> to vector<1x16xf32>
      tpu.vector_store %arg13[%swap3A_115, %swap3A_116], %swap3A_119 {strides = array<i32>} : memref<64x128xf32, #tpu.memory_space<vmem>>, vector<1x16xf32>,
      %swap3A_120 = arith.index_cast %scan3A_89 : i32 to index
      %swap3A_121 = arith.constant 96 : index
      %swap3A_122 = tpu.vector_load %arg13[%swap3A_120, %swap3A_121] {strides = array<i32>} : memref<64x128xf32, #tpu.memory_space<vmem>>, vector<1x16xf32>,
      %swap3A_123 = vector.shape_cast %swap3A_122 : vector<1x16xf32> to vector<16xf32>
      %swap3A_124 = vector.shape_cast %broadcast_in_dim3A_90 : vector<16xf32> to vector<1x16xf32>
      tpu.vector_store %arg13[%swap3A_120, %swap3A_121], %swap3A_124 {strides = array<i32>} : memref<64x128xf32, #tpu.memory_space<vmem>>, vector<1x16xf32>,
      %swap3A_125 = arith.index_cast %scan3A_89 : i32 to index
      %swap3A_126 = arith.constant 112 : index
      %swap3A_127 = tpu.vector_load %arg13[%swap3A_125, %swap3A_126] {strides = array<i32>} : memref<64x128xf32, #tpu.memory_space<vmem>>, vector<1x16xf32>,
      %swap3A_128 = vector.shape_cast %swap3A_127 : vector<1x16xf32> to vector<16xf32>
      %swap3A_129 = vector.shape_cast %broadcast_in_dim3A_90 : vector<16xf32> to vector<1x16xf32>
      tpu.vector_store %arg13[%swap3A_125, %swap3A_126], %swap3A_129 {strides = array<i32>} : memref<64x128xf32, #tpu.memory_space<vmem>>, vector<1x16xf32>,
    }
    %scan3A_29 = arith.constant 64 : i32
    %add3A_30 = arith.constant 0 : i32
    %add3A_31 = arith.addi %mul3A_4, %add3A_30 : i32
    "tpu.region"() ({
      %run_scoped3A = tpu.sem_alloc : memref<!tpu.dma_semaphore, #tpu.memory_space<semaphore_mem>>
      %dma_start3A_89 = arith.constant 0 : i32
      %dma_start3A_90 = tpu.memref_slice %arg5[%add3A_31, %dma_start3A_89] : memref<10000x128xf32, #tpu.memory_space<vmem_shared>> -> memref<64x128xf32, #tpu.memory_space<vmem_shared>>
      %dma_start3A_91 = arith.constant 0 : i32
      %dma_start3A_92 = tpu.memref_slice %arg5[%add3A_31, %dma_start3A_91] : memref<10000x128xf32, #tpu.memory_space<vmem_shared>> -> memref<64x128xf32, #tpu.memory_space<vmem_shared>>
      tpu.enqueue_dma source(%arg13 : memref<64x128xf32, #tpu.memory_space<vmem>>) target(%dma_start3A_92 : memref<64x128xf32, #tpu.memory_space<vmem_shared>>) target_semaphore(%run_scoped3A : memref<!tpu.dma_semaphore, #tpu.memory_space<semaphore_mem>>)
      %dma_wait3A_93 = arith.constant 0 : i32
      %dma_wait3A_94 = tpu.memref_slice %arg5[%add3A_31, %dma_wait3A_93] : memref<10000x128xf32, #tpu.memory_space<vmem_shared>> -> memref<64x128xf32, #tpu.memory_space<vmem_shared>>
      %dma_wait3A_95 = arith.constant 0 : i32
      %dma_wait3A_96 = tpu.memref_slice %arg5[%add3A_31, %dma_wait3A_95] : memref<10000x128xf32, #tpu.memory_space<vmem_shared>> -> memref<64x128xf32, #tpu.memory_space<vmem_shared>>
      tpu.wait_dma2 semaphore(%run_scoped3A : memref<!tpu.dma_semaphore, #tpu.memory_space<semaphore_mem>>) src(%arg13 : memref<64x128xf32, #tpu.memory_space<vmem>>) dst(%dma_wait3A_96 : memref<64x128xf32, #tpu.memory_space<vmem_shared>>)
      tpu.yield
    }) : () -> ()
    %add3A_32 = arith.constant 64 : i32
    %add3A_33 = arith.addi %mul3A_4, %add3A_32 : i32
    "tpu.region"() ({
      %run_scoped3A = tpu.sem_alloc : memref<!tpu.dma_semaphore, #tpu.memory_space<semaphore_mem>>
      %dma_start3A_89 = arith.constant 0 : i32
      %dma_start3A_90 = tpu.memref_slice %arg5[%add3A_33, %dma_start3A_89] : memref<10000x128xf32, #tpu.memory_space<vmem_shared>> -> memref<64x128xf32, #tpu.memory_space<vmem_shared>>
      %dma_start3A_91 = arith.constant 0 : i32
      %dma_start3A_92 = tpu.memref_slice %arg5[%add3A_33, %dma_start3A_91] : memref<10000x128xf32, #tpu.memory_space<vmem_shared>> -> memref<64x128xf32, #tpu.memory_space<vmem_shared>>
      tpu.enqueue_dma source(%arg13 : memref<64x128xf32, #tpu.memory_space<vmem>>) target(%dma_start3A_92 : memref<64x128xf32, #tpu.memory_space<vmem_shared>>) target_semaphore(%run_scoped3A : memref<!tpu.dma_semaphore, #tpu.memory_space<semaphore_mem>>)
      %dma_wait3A_93 = arith.constant 0 : i32
      %dma_wait3A_94 = tpu.memref_slice %arg5[%add3A_33, %dma_wait3A_93] : memref<10000x128xf32, #tpu.memory_space<vmem_shared>> -> memref<64x128xf32, #tpu.memory_space<vmem_shared>>
      %dma_wait3A_95 = arith.constant 0 : i32
      %dma_wait3A_96 = tpu.memref_slice %arg5[%add3A_33, %dma_wait3A_95] : memref<10000x128xf32, #tpu.memory_space<vmem_shared>> -> memref<64x128xf32, #tpu.memory_space<vmem_shared>>
      tpu.wait_dma2 semaphore(%run_scoped3A : memref<!tpu.dma_semaphore, #tpu.memory_space<semaphore_mem>>) src(%arg13 : memref<64x128xf32, #tpu.memory_space<vmem>>) dst(%dma_wait3A_96 : memref<64x128xf32, #tpu.memory_space<vmem_shared>>)
      tpu.yield
    }) : () -> ()
    %add3A_34 = arith.constant 128 : i32
    %add3A_35 = arith.addi %mul3A_4, %add3A_34 : i32
    "tpu.region"() ({
      %run_scoped3A = tpu.sem_alloc : memref<!tpu.dma_semaphore, #tpu.memory_space<semaphore_mem>>
      %dma_start3A_89 = arith.constant 0 : i32
      %dma_start3A_90 = tpu.memref_slice %arg5[%add3A_35, %dma_start3A_89] : memref<10000x128xf32, #tpu.memory_space<vmem_shared>> -> memref<64x128xf32, #tpu.memory_space<vmem_shared>>
      %dma_start3A_91 = arith.constant 0 : i32
      %dma_start3A_92 = tpu.memref_slice %arg5[%add3A_35, %dma_start3A_91] : memref<10000x128xf32, #tpu.memory_space<vmem_shared>> -> memref<64x128xf32, #tpu.memory_space<vmem_shared>>
      tpu.enqueue_dma source(%arg13 : memref<64x128xf32, #tpu.memory_space<vmem>>) target(%dma_start3A_92 : memref<64x128xf32, #tpu.memory_space<vmem_shared>>) target_semaphore(%run_scoped3A : memref<!tpu.dma_semaphore, #tpu.memory_space<semaphore_mem>>)
      %dma_wait3A_93 = arith.constant 0 : i32
      %dma_wait3A_94 = tpu.memref_slice %arg5[%add3A_35, %dma_wait3A_93] : memref<10000x128xf32, #tpu.memory_space<vmem_shared>> -> memref<64x128xf32, #tpu.memory_space<vmem_shared>>
      %dma_wait3A_95 = arith.constant 0 : i32
      %dma_wait3A_96 = tpu.memref_slice %arg5[%add3A_35, %dma_wait3A_95] : memref<10000x128xf32, #tpu.memory_space<vmem_shared>> -> memref<64x128xf32, #tpu.memory_space<vmem_shared>>
      tpu.wait_dma2 semaphore(%run_scoped3A : memref<!tpu.dma_semaphore, #tpu.memory_space<semaphore_mem>>) src(%arg13 : memref<64x128xf32, #tpu.memory_space<vmem>>) dst(%dma_wait3A_96 : memref<64x128xf32, #tpu.memory_space<vmem_shared>>)
      tpu.yield
    }) : () -> ()
    %add3A_36 = arith.constant 192 : i32
    %add3A_37 = arith.addi %mul3A_4, %add3A_36 : i32
    "tpu.region"() ({
      %run_scoped3A = tpu.sem_alloc : memref<!tpu.dma_semaphore, #tpu.memory_space<semaphore_mem>>
      %dma_start3A_89 = arith.constant 0 : i32
      %dma_start3A_90 = tpu.memref_slice %arg5[%add3A_37, %dma_start3A_89] : memref<10000x128xf32, #tpu.memory_space<vmem_shared>> -> memref<64x128xf32, #tpu.memory_space<vmem_shared>>
      %dma_start3A_91 = arith.constant 0 : i32
      %dma_start3A_92 = tpu.memref_slice %arg5[%add3A_37, %dma_start3A_91] : memref<10000x128xf32, #tpu.memory_space<vmem_shared>> -> memref<64x128xf32, #tpu.memory_space<vmem_shared>>
      tpu.enqueue_dma source(%arg13 : memref<64x128xf32, #tpu.memory_space<vmem>>) target(%dma_start3A_92 : memref<64x128xf32, #tpu.memory_space<vmem_shared>>) target_semaphore(%run_scoped3A : memref<!tpu.dma_semaphore, #tpu.memory_space<semaphore_mem>>)
      %dma_wait3A_93 = arith.constant 0 : i32
      %dma_wait3A_94 = tpu.memref_slice %arg5[%add3A_37, %dma_wait3A_93] : memref<10000x128xf32, #tpu.memory_space<vmem_shared>> -> memref<64x128xf32, #tpu.memory_space<vmem_shared>>
      %dma_wait3A_95 = arith.constant 0 : i32
      %dma_wait3A_96 = tpu.memref_slice %arg5[%add3A_37, %dma_wait3A_95] : memref<10000x128xf32, #tpu.memory_space<vmem_shared>> -> memref<64x128xf32, #tpu.memory_space<vmem_shared>>
      tpu.wait_dma2 semaphore(%run_scoped3A : memref<!tpu.dma_semaphore, #tpu.memory_space<semaphore_mem>>) src(%arg13 : memref<64x128xf32, #tpu.memory_space<vmem>>) dst(%dma_wait3A_96 : memref<64x128xf32, #tpu.memory_space<vmem_shared>>)
      tpu.yield
    }) : () -> ()
    %add3A_38 = arith.constant 256 : i32
    %add3A_39 = arith.addi %mul3A_4, %add3A_38 : i32
    "tpu.region"() ({
      %run_scoped3A = tpu.sem_alloc : memref<!tpu.dma_semaphore, #tpu.memory_space<semaphore_mem>>
      %dma_start3A_89 = arith.constant 0 : i32
      %dma_start3A_90 = tpu.memref_slice %arg5[%add3A_39, %dma_start3A_89] : memref<10000x128xf32, #tpu.memory_space<vmem_shared>> -> memref<64x128xf32, #tpu.memory_space<vmem_shared>>
      %dma_start3A_91 = arith.constant 0 : i32
      %dma_start3A_92 = tpu.memref_slice %arg5[%add3A_39, %dma_start3A_91] : memref<10000x128xf32, #tpu.memory_space<vmem_shared>> -> memref<64x128xf32, #tpu.memory_space<vmem_shared>>
      tpu.enqueue_dma source(%arg13 : memref<64x128xf32, #tpu.memory_space<vmem>>) target(%dma_start3A_92 : memref<64x128xf32, #tpu.memory_space<vmem_shared>>) target_semaphore(%run_scoped3A : memref<!tpu.dma_semaphore, #tpu.memory_space<semaphore_mem>>)
      %dma_wait3A_93 = arith.constant 0 : i32
      %dma_wait3A_94 = tpu.memref_slice %arg5[%add3A_39, %dma_wait3A_93] : memref<10000x128xf32, #tpu.memory_space<vmem_shared>> -> memref<64x128xf32, #tpu.memory_space<vmem_shared>>
      %dma_wait3A_95 = arith.constant 0 : i32
      %dma_wait3A_96 = tpu.memref_slice %arg5[%add3A_39, %dma_wait3A_95] : memref<10000x128xf32, #tpu.memory_space<vmem_shared>> -> memref<64x128xf32, #tpu.memory_space<vmem_shared>>
      tpu.wait_dma2 semaphore(%run_scoped3A : memref<!tpu.dma_semaphore, #tpu.memory_space<semaphore_mem>>) src(%arg13 : memref<64x128xf32, #tpu.memory_space<vmem>>) dst(%dma_wait3A_96 : memref<64x128xf32, #tpu.memory_space<vmem_shared>>)
      tpu.yield
    }) : () -> ()
    %add3A_40 = arith.constant 320 : i32
    %add3A_41 = arith.addi %mul3A_4, %add3A_40 : i32
    "tpu.region"() ({
      %run_scoped3A = tpu.sem_alloc : memref<!tpu.dma_semaphore, #tpu.memory_space<semaphore_mem>>
      %dma_start3A_89 = arith.constant 0 : i32
      %dma_start3A_90 = tpu.memref_slice %arg5[%add3A_41, %dma_start3A_89] : memref<10000x128xf32, #tpu.memory_space<vmem_shared>> -> memref<64x128xf32, #tpu.memory_space<vmem_shared>>
      %dma_start3A_91 = arith.constant 0 : i32
      %dma_start3A_92 = tpu.memref_slice %arg5[%add3A_41, %dma_start3A_91] : memref<10000x128xf32, #tpu.memory_space<vmem_shared>> -> memref<64x128xf32, #tpu.memory_space<vmem_shared>>
      tpu.enqueue_dma source(%arg13 : memref<64x128xf32, #tpu.memory_space<vmem>>) target(%dma_start3A_92 : memref<64x128xf32, #tpu.memory_space<vmem_shared>>) target_semaphore(%run_scoped3A : memref<!tpu.dma_semaphore, #tpu.memory_space<semaphore_mem>>)
      %dma_wait3A_93 = arith.constant 0 : i32
      %dma_wait3A_94 = tpu.memref_slice %arg5[%add3A_41, %dma_wait3A_93] : memref<10000x128xf32, #tpu.memory_space<vmem_shared>> -> memref<64x128xf32, #tpu.memory_space<vmem_shared>>
      %dma_wait3A_95 = arith.constant 0 : i32
      %dma_wait3A_96 = tpu.memref_slice %arg5[%add3A_41, %dma_wait3A_95] : memref<10000x128xf32, #tpu.memory_space<vmem_shared>> -> memref<64x128xf32, #tpu.memory_space<vmem_shared>>
      tpu.wait_dma2 semaphore(%run_scoped3A : memref<!tpu.dma_semaphore, #tpu.memory_space<semaphore_mem>>) src(%arg13 : memref<64x128xf32, #tpu.memory_space<vmem>>) dst(%dma_wait3A_96 : memref<64x128xf32, #tpu.memory_space<vmem_shared>>)
      tpu.yield
    }) : () -> ()
    %add3A_42 = arith.constant 384 : i32
    %add3A_43 = arith.addi %mul3A_4, %add3A_42 : i32
    "tpu.region"() ({
      %run_scoped3A = tpu.sem_alloc : memref<!tpu.dma_semaphore, #tpu.memory_space<semaphore_mem>>
      %dma_start3A_89 = arith.constant 0 : i32
      %dma_start3A_90 = tpu.memref_slice %arg5[%add3A_43, %dma_start3A_89] : memref<10000x128xf32, #tpu.memory_space<vmem_shared>> -> memref<64x128xf32, #tpu.memory_space<vmem_shared>>
      %dma_start3A_91 = arith.constant 0 : i32
      %dma_start3A_92 = tpu.memref_slice %arg5[%add3A_43, %dma_start3A_91] : memref<10000x128xf32, #tpu.memory_space<vmem_shared>> -> memref<64x128xf32, #tpu.memory_space<vmem_shared>>
      tpu.enqueue_dma source(%arg13 : memref<64x128xf32, #tpu.memory_space<vmem>>) target(%dma_start3A_92 : memref<64x128xf32, #tpu.memory_space<vmem_shared>>) target_semaphore(%run_scoped3A : memref<!tpu.dma_semaphore, #tpu.memory_space<semaphore_mem>>)
      %dma_wait3A_93 = arith.constant 0 : i32
      %dma_wait3A_94 = tpu.memref_slice %arg5[%add3A_43, %dma_wait3A_93] : memref<10000x128xf32, #tpu.memory_space<vmem_shared>> -> memref<64x128xf32, #tpu.memory_space<vmem_shared>>
      %dma_wait3A_95 = arith.constant 0 : i32
      %dma_wait3A_96 = tpu.memref_slice %arg5[%add3A_43, %dma_wait3A_95] : memref<10000x128xf32, #tpu.memory_space<vmem_shared>> -> memref<64x128xf32, #tpu.memory_space<vmem_shared>>
      tpu.wait_dma2 semaphore(%run_scoped3A : memref<!tpu.dma_semaphore, #tpu.memory_space<semaphore_mem>>) src(%arg13 : memref<64x128xf32, #tpu.memory_space<vmem>>) dst(%dma_wait3A_96 : memref<64x128xf32, #tpu.memory_space<vmem_shared>>)
      tpu.yield
    }) : () -> ()
    %add3A_44 = arith.constant 448 : i32
    %add3A_45 = arith.addi %mul3A_4, %add3A_44 : i32
    "tpu.region"() ({
      %run_scoped3A = tpu.sem_alloc : memref<!tpu.dma_semaphore, #tpu.memory_space<semaphore_mem>>
      %dma_start3A_89 = arith.constant 0 : i32
      %dma_start3A_90 = tpu.memref_slice %arg5[%add3A_45, %dma_start3A_89] : memref<10000x128xf32, #tpu.memory_space<vmem_shared>> -> memref<64x128xf32, #tpu.memory_space<vmem_shared>>
      %dma_start3A_91 = arith.constant 0 : i32
      %dma_start3A_92 = tpu.memref_slice %arg5[%add3A_45, %dma_start3A_91] : memref<10000x128xf32, #tpu.memory_space<vmem_shared>> -> memref<64x128xf32, #tpu.memory_space<vmem_shared>>
      tpu.enqueue_dma source(%arg13 : memref<64x128xf32, #tpu.memory_space<vmem>>) target(%dma_start3A_92 : memref<64x128xf32, #tpu.memory_space<vmem_shared>>) target_semaphore(%run_scoped3A : memref<!tpu.dma_semaphore, #tpu.memory_space<semaphore_mem>>)
      %dma_wait3A_93 = arith.constant 0 : i32
      %dma_wait3A_94 = tpu.memref_slice %arg5[%add3A_45, %dma_wait3A_93] : memref<10000x128xf32, #tpu.memory_space<vmem_shared>> -> memref<64x128xf32, #tpu.memory_space<vmem_shared>>
      %dma_wait3A_95 = arith.constant 0 : i32
      %dma_wait3A_96 = tpu.memref_slice %arg5[%add3A_45, %dma_wait3A_95] : memref<10000x128xf32, #tpu.memory_space<vmem_shared>> -> memref<64x128xf32, #tpu.memory_space<vmem_shared>>
      tpu.wait_dma2 semaphore(%run_scoped3A : memref<!tpu.dma_semaphore, #tpu.memory_space<semaphore_mem>>) src(%arg13 : memref<64x128xf32, #tpu.memory_space<vmem>>) dst(%dma_wait3A_96 : memref<64x128xf32, #tpu.memory_space<vmem_shared>>)
      tpu.yield
    }) : () -> ()
    %add3A_46 = arith.constant 512 : i32
    %add3A_47 = arith.addi %mul3A_4, %add3A_46 : i32
    "tpu.region"() ({
      %run_scoped3A = tpu.sem_alloc : memref<!tpu.dma_semaphore, #tpu.memory_space<semaphore_mem>>
      %dma_start3A_89 = arith.constant 0 : i32
      %dma_start3A_90 = tpu.memref_slice %arg5[%add3A_47, %dma_start3A_89] : memref<10000x128xf32, #tpu.memory_space<vmem_shared>> -> memref<64x128xf32, #tpu.memory_space<vmem_shared>>
      %dma_start3A_91 = arith.constant 0 : i32
      %dma_start3A_92 = tpu.memref_slice %arg5[%add3A_47, %dma_start3A_91] : memref<10000x128xf32, #tpu.memory_space<vmem_shared>> -> memref<64x128xf32, #tpu.memory_space<vmem_shared>>
      tpu.enqueue_dma source(%arg13 : memref<64x128xf32, #tpu.memory_space<vmem>>) target(%dma_start3A_92 : memref<64x128xf32, #tpu.memory_space<vmem_shared>>) target_semaphore(%run_scoped3A : memref<!tpu.dma_semaphore, #tpu.memory_space<semaphore_mem>>)
      %dma_wait3A_93 = arith.constant 0 : i32
      %dma_wait3A_94 = tpu.memref_slice %arg5[%add3A_47, %dma_wait3A_93] : memref<10000x128xf32, #tpu.memory_space<vmem_shared>> -> memref<64x128xf32, #tpu.memory_space<vmem_shared>>
      %dma_wait3A_95 = arith.constant 0 : i32
      %dma_wait3A_96 = tpu.memref_slice %arg5[%add3A_47, %dma_wait3A_95] : memref<10000x128xf32, #tpu.memory_space<vmem_shared>> -> memref<64x128xf32, #tpu.memory_space<vmem_shared>>
      tpu.wait_dma2 semaphore(%run_scoped3A : memref<!tpu.dma_semaphore, #tpu.memory_space<semaphore_mem>>) src(%arg13 : memref<64x128xf32, #tpu.memory_space<vmem>>) dst(%dma_wait3A_96 : memref<64x128xf32, #tpu.memory_space<vmem_shared>>)
      tpu.yield
    }) : () -> ()
    %add3A_48 = arith.constant 624 : i32
    %add3A_49 = arith.addi %mul3A_4, %add3A_48 : i32
    %sub3A = arith.constant 48 : i32
    %sub3A_50 = arith.subi %add3A_49, %sub3A : i32
    "tpu.region"() ({
      %run_scoped3A = tpu.sem_alloc : memref<!tpu.dma_semaphore, #tpu.memory_space<semaphore_mem>>
      %dma_start3A_89 = arith.constant 0 : i32
      %dma_start3A_90 = arith.constant 0 : i32
      %dma_start3A_91 = tpu.memref_slice %arg13[%dma_start3A_89, %dma_start3A_90] : memref<64x128xf32, #tpu.memory_space<vmem>> -> memref<48x128xf32, #tpu.memory_space<vmem>>
      %dma_start3A_92 = arith.constant 0 : i32
      %dma_start3A_93 = tpu.memref_slice %arg5[%sub3A_50, %dma_start3A_92] : memref<10000x128xf32, #tpu.memory_space<vmem_shared>> -> memref<48x128xf32, #tpu.memory_space<vmem_shared>>
      %dma_start3A_94 = arith.constant 0 : i32
      %dma_start3A_95 = tpu.memref_slice %arg5[%sub3A_50, %dma_start3A_94] : memref<10000x128xf32, #tpu.memory_space<vmem_shared>> -> memref<48x128xf32, #tpu.memory_space<vmem_shared>>
      %dma_start3A_96 = arith.constant 0 : i32
      %dma_start3A_97 = arith.constant 0 : i32
      %dma_start3A_98 = tpu.memref_slice %arg13[%dma_start3A_96, %dma_start3A_97] : memref<64x128xf32, #tpu.memory_space<vmem>> -> memref<48x128xf32, #tpu.memory_space<vmem>>
      tpu.enqueue_dma source(%dma_start3A_98 : memref<48x128xf32, #tpu.memory_space<vmem>>) target(%dma_start3A_95 : memref<48x128xf32, #tpu.memory_space<vmem_shared>>) target_semaphore(%run_scoped3A : memref<!tpu.dma_semaphore, #tpu.memory_space<semaphore_mem>>)
      %dma_wait3A_99 = arith.constant 0 : i32
      %dma_wait3A_100 = arith.constant 0 : i32
      %dma_wait3A_101 = tpu.memref_slice %arg13[%dma_wait3A_99, %dma_wait3A_100] : memref<64x128xf32, #tpu.memory_space<vmem>> -> memref<48x128xf32, #tpu.memory_space<vmem>>
      %dma_wait3A_102 = arith.constant 0 : i32
      %dma_wait3A_103 = tpu.memref_slice %arg5[%sub3A_50, %dma_wait3A_102] : memref<10000x128xf32, #tpu.memory_space<vmem_shared>> -> memref<48x128xf32, #tpu.memory_space<vmem_shared>>
      %dma_wait3A_104 = arith.constant 0 : i32
      %dma_wait3A_105 = tpu.memref_slice %arg5[%sub3A_50, %dma_wait3A_104] : memref<10000x128xf32, #tpu.memory_space<vmem_shared>> -> memref<48x128xf32, #tpu.memory_space<vmem_shared>>
      %dma_wait3A_106 = arith.constant 0 : i32
      %dma_wait3A_107 = arith.constant 0 : i32
      %dma_wait3A_108 = tpu.memref_slice %arg13[%dma_wait3A_106, %dma_wait3A_107] : memref<64x128xf32, #tpu.memory_space<vmem>> -> memref<48x128xf32, #tpu.memory_space<vmem>>
      tpu.wait_dma2 semaphore(%run_scoped3A : memref<!tpu.dma_semaphore, #tpu.memory_space<semaphore_mem>>) src(%dma_wait3A_108 : memref<48x128xf32, #tpu.memory_space<vmem>>) dst(%dma_wait3A_105 : memref<48x128xf32, #tpu.memory_space<vmem_shared>>)
      tpu.yield
    }) : () -> ()
    %eq3A = arith.constant 15 : i32
    %eq3A_51 = arith.cmpi eq, %arg1, %eq3A : i32
    %convert_element_type3A = arith.extui %eq3A_51 : i1 to i32
    %cond3A = arith.constant 0 : i32
    %cond3A_52 = arith.cmpi ne, %convert_element_type3A, %cond3A : i32
    scf.if %cond3A_52 {
      "tpu.region"() ({
        %run_scoped3A = tpu.sem_alloc : memref<!tpu.dma_semaphore, #tpu.memory_space<semaphore_mem>>
        %dma_start3A_89 = arith.constant 0 : i32
        %dma_start3A_90 = arith.constant 0 : i32
        %dma_start3A_91 = tpu.memref_slice %arg13[%dma_start3A_89, %dma_start3A_90] : memref<64x128xf32, #tpu.memory_space<vmem>> -> memref<16x128xf32, #tpu.memory_space<vmem>>
        %dma_start3A_92 = arith.constant 9984 : i32
        %dma_start3A_93 = arith.constant 0 : i32
        %dma_start3A_94 = tpu.memref_slice %arg5[%dma_start3A_92, %dma_start3A_93] : memref<10000x128xf32, #tpu.memory_space<vmem_shared>> -> memref<16x128xf32, #tpu.memory_space<vmem_shared>>
        %dma_start3A_95 = arith.constant 9984 : i32
        %dma_start3A_96 = arith.constant 0 : i32
        %dma_start3A_97 = tpu.memref_slice %arg5[%dma_start3A_95, %dma_start3A_96] : memref<10000x128xf32, #tpu.memory_space<vmem_shared>> -> memref<16x128xf32, #tpu.memory_space<vmem_shared>>
        %dma_start3A_98 = arith.constant 0 : i32
        %dma_start3A_99 = arith.constant 0 : i32
        %dma_start3A_100 = tpu.memref_slice %arg13[%dma_start3A_98, %dma_start3A_99] : memref<64x128xf32, #tpu.memory_space<vmem>> -> memref<16x128xf32, #tpu.memory_space<vmem>>
        tpu.enqueue_dma source(%dma_start3A_100 : memref<16x128xf32, #tpu.memory_space<vmem>>) target(%dma_start3A_97 : memref<16x128xf32, #tpu.memory_space<vmem_shared>>) target_semaphore(%run_scoped3A : memref<!tpu.dma_semaphore, #tpu.memory_space<semaphore_mem>>)
        %dma_wait3A_101 = arith.constant 0 : i32
        %dma_wait3A_102 = arith.constant 0 : i32
        %dma_wait3A_103 = tpu.memref_slice %arg13[%dma_wait3A_101, %dma_wait3A_102] : memref<64x128xf32, #tpu.memory_space<vmem>> -> memref<16x128xf32, #tpu.memory_space<vmem>>
        %dma_wait3A_104 = arith.constant 9984 : i32
        %dma_wait3A_105 = arith.constant 0 : i32
        %dma_wait3A_106 = tpu.memref_slice %arg5[%dma_wait3A_104, %dma_wait3A_105] : memref<10000x128xf32, #tpu.memory_space<vmem_shared>> -> memref<16x128xf32, #tpu.memory_space<vmem_shared>>
        %dma_wait3A_107 = arith.constant 9984 : i32
        %dma_wait3A_108 = arith.constant 0 : i32
        %dma_wait3A_109 = tpu.memref_slice %arg5[%dma_wait3A_107, %dma_wait3A_108] : memref<10000x128xf32, #tpu.memory_space<vmem_shared>> -> memref<16x128xf32, #tpu.memory_space<vmem_shared>>
        %dma_wait3A_110 = arith.constant 0 : i32
        %dma_wait3A_111 = arith.constant 0 : i32
        %dma_wait3A_112 = tpu.memref_slice %arg13[%dma_wait3A_110, %dma_wait3A_111] : memref<64x128xf32, #tpu.memory_space<vmem>> -> memref<16x128xf32, #tpu.memory_space<vmem>>
        tpu.wait_dma2 semaphore(%run_scoped3A : memref<!tpu.dma_semaphore, #tpu.memory_space<semaphore_mem>>) src(%dma_wait3A_112 : memref<16x128xf32, #tpu.memory_space<vmem>>) dst(%dma_wait3A_109 : memref<16x128xf32, #tpu.memory_space<vmem_shared>>)
        tpu.yield
      }) : () -> ()
    } else {
    }
    %barrier3A = arith.constant 0 : index
    tpu.barrier barrier_id(%barrier3A)
    %scan3A_53 = arith.constant 0 : i32
    %scan3A_54 = arith.constant 0 : i32
    %scan3A_55 = arith.constant 41 : i32
    %scan3A_56 = arith.addi %scan3A_54, %scan3A_55 : i32
    %scan3A_57 = arith.constant 1 : i32
    scf.for %scan3A_89 = %scan3A_54 to %scan3A_56 step %scan3A_57  : i32 {
      %mul3A_90 = arith.constant 3 : i32
      %mul3A_91 = arith.muli %mul3A_90, %scan3A_89 : i32
      %add3A_92 = arith.constant 2 : i32
      %add3A_93 = arith.addi %mul3A_91, %add3A_92 : i32
      %mul3A_94 = arith.constant 80 : i32
      %mul3A_95 = arith.muli %add3A_93, %mul3A_94 : i32
      %multiple_of3A_96 = tpu.assume_multiple %mul3A_95, 8 : i32
      %add3A_97 = arith.constant 320000 : i32
      %add3A_98 = arith.addi %add3A_97, %mul3A_2 : i32
      %add3A_99 = arith.addi %add3A_98, %multiple_of3A_96 : i32
      %dma_start3A_100 = tpu.memref_slice %arg3[%add3A_99] : memref<640000xi32, #tpu.memory_space<hbm>> -> memref<80xi32, #tpu.memory_space<hbm>>
      %dma_start3A_101 = tpu.memref_slice %arg3[%add3A_99] : memref<640000xi32, #tpu.memory_space<hbm>> -> memref<80xi32, #tpu.memory_space<hbm>>
      tpu.enqueue_dma source(%dma_start3A_101 : memref<80xi32, #tpu.memory_space<hbm>>) target(%arg9 : memref<80xi32, #tpu.memory_space<vmem>>) target_semaphore(%arg19 : memref<!tpu.dma_semaphore, #tpu.memory_space<semaphore_mem>>)
      %dma_start3A_102 = tpu.memref_slice %arg6[%multiple_of3A_96] : memref<10000xi32, #tpu.memory_space<vmem>> -> memref<80xi32, #tpu.memory_space<vmem>>
      %dma_start3A_103 = arith.constant 0 : i32
      %dma_start3A_104 = arith.constant 0 : i32
      %dma_start3A_105 = tpu.memref_slice %arg2[%dma_start3A_103, %dma_start3A_104] : memref<10000x128xf32, #tpu.memory_space<hbm>> -> memref<10000x128xf32, #tpu.memory_space<hbm>>
      tpu.enqueue_indirect_dma source(%dma_start3A_105 : memref<10000x128xf32, #tpu.memory_space<hbm>>) target(%arg12 : memref<80x128xf32, #tpu.memory_space<vmem>>) offsets(%dma_start3A_102 : memref<80xi32, #tpu.memory_space<vmem>>) semaphore(%arg16 : memref<!tpu.dma_semaphore, #tpu.memory_space<semaphore_mem>>)
      %mul3A_106 = arith.constant 80 : i32
      %mul3A_107 = arith.muli %mul3A_91, %mul3A_106 : i32
      %multiple_of3A_108 = tpu.assume_multiple %mul3A_107, 8 : i32
      %dma_wait3A_109 = tpu.memref_slice %arg6[%multiple_of3A_108] : memref<10000xi32, #tpu.memory_space<vmem>> -> memref<80xi32, #tpu.memory_space<vmem>>
      %dma_wait3A_110 = arith.constant 0 : i32
      %dma_wait3A_111 = arith.constant 0 : i32
      %dma_wait3A_112 = tpu.memref_slice %arg2[%dma_wait3A_110, %dma_wait3A_111] : memref<10000x128xf32, #tpu.memory_space<hbm>> -> memref<10000x128xf32, #tpu.memory_space<hbm>>
      tpu.wait_indirect_dma semaphore(%arg14 : memref<!tpu.dma_semaphore, #tpu.memory_space<semaphore_mem>>) src(%dma_wait3A_112 : memref<10000x128xf32, #tpu.memory_space<hbm>>) dst(%arg10 : memref<80x128xf32, #tpu.memory_space<vmem>>)
      %add3A_113 = arith.constant 320000 : i32
      %add3A_114 = arith.addi %add3A_113, %mul3A_2 : i32
      %add3A_115 = arith.addi %add3A_114, %multiple_of3A_108 : i32
      %dma_wait3A_116 = tpu.memref_slice %arg3[%add3A_115] : memref<640000xi32, #tpu.memory_space<hbm>> -> memref<80xi32, #tpu.memory_space<hbm>>
      %dma_wait3A_117 = tpu.memref_slice %arg3[%add3A_115] : memref<640000xi32, #tpu.memory_space<hbm>> -> memref<80xi32, #tpu.memory_space<hbm>>
      tpu.wait_dma2 semaphore(%arg17 : memref<!tpu.dma_semaphore, #tpu.memory_space<semaphore_mem>>) src(%dma_wait3A_117 : memref<80xi32, #tpu.memory_space<hbm>>) dst(%arg7 : memref<80xi32, #tpu.memory_space<vmem>>)
      "tpu.region"() ({
        %run_scoped3A = tpu.sem_alloc : memref<!tpu.dma_semaphore, #tpu.memory_space<semaphore_mem>>
        %dma_start3A_174 = arith.constant 0 : i32
        %dma_start3A_175 = arith.constant 0 : i32
        %dma_start3A_176 = tpu.memref_slice %arg5[%dma_start3A_174, %dma_start3A_175] : memref<10000x128xf32, #tpu.memory_space<vmem_shared>> -> memref<10000x128xf32, #tpu.memory_space<vmem_shared>>
        tpu.enqueue_indirect_dma source(%arg10 : memref<80x128xf32, #tpu.memory_space<vmem>>) target(%dma_start3A_176 : memref<10000x128xf32, #tpu.memory_space<vmem_shared>>) offsets(%arg7 : memref<80xi32, #tpu.memory_space<vmem>>) semaphore(%run_scoped3A : memref<!tpu.dma_semaphore, #tpu.memory_space<semaphore_mem>>) {add = true}
        %dma_wait3A_177 = arith.constant 0 : i32
        %dma_wait3A_178 = arith.constant 0 : i32
        %dma_wait3A_179 = tpu.memref_slice %arg5[%dma_wait3A_177, %dma_wait3A_178] : memref<10000x128xf32, #tpu.memory_space<vmem_shared>> -> memref<10000x128xf32, #tpu.memory_space<vmem_shared>>
        tpu.wait_indirect_dma semaphore(%run_scoped3A : memref<!tpu.dma_semaphore, #tpu.memory_space<semaphore_mem>>) src(%arg10 : memref<80x128xf32, #tpu.memory_space<vmem>>) dst(%dma_wait3A_179 : memref<10000x128xf32, #tpu.memory_space<vmem_shared>>)
        tpu.yield
      }) : () -> ()
      %add3A_118 = arith.constant 3 : i32
      %add3A_119 = arith.addi %mul3A_91, %add3A_118 : i32
      %mul3A_120 = arith.constant 80 : i32
      %mul3A_121 = arith.muli %add3A_119, %mul3A_120 : i32
      %multiple_of3A_122 = tpu.assume_multiple %mul3A_121, 8 : i32
      %add3A_123 = arith.constant 320000 : i32
      %add3A_124 = arith.addi %add3A_123, %mul3A_2 : i32
      %add3A_125 = arith.addi %add3A_124, %multiple_of3A_122 : i32
      %dma_start3A_126 = tpu.memref_slice %arg3[%add3A_125] : memref<640000xi32, #tpu.memory_space<hbm>> -> memref<80xi32, #tpu.memory_space<hbm>>
      %dma_start3A_127 = tpu.memref_slice %arg3[%add3A_125] : memref<640000xi32, #tpu.memory_space<hbm>> -> memref<80xi32, #tpu.memory_space<hbm>>
      tpu.enqueue_dma source(%dma_start3A_127 : memref<80xi32, #tpu.memory_space<hbm>>) target(%arg7 : memref<80xi32, #tpu.memory_space<vmem>>) target_semaphore(%arg17 : memref<!tpu.dma_semaphore, #tpu.memory_space<semaphore_mem>>)
      %dma_start3A_128 = tpu.memref_slice %arg6[%multiple_of3A_122] : memref<10000xi32, #tpu.memory_space<vmem>> -> memref<80xi32, #tpu.memory_space<vmem>>
      %dma_start3A_129 = arith.constant 0 : i32
      %dma_start3A_130 = arith.constant 0 : i32
      %dma_start3A_131 = tpu.memref_slice %arg2[%dma_start3A_129, %dma_start3A_130] : memref<10000x128xf32, #tpu.memory_space<hbm>> -> memref<10000x128xf32, #tpu.memory_space<hbm>>
      tpu.enqueue_indirect_dma source(%dma_start3A_131 : memref<10000x128xf32, #tpu.memory_space<hbm>>) target(%arg10 : memref<80x128xf32, #tpu.memory_space<vmem>>) offsets(%dma_start3A_128 : memref<80xi32, #tpu.memory_space<vmem>>) semaphore(%arg14 : memref<!tpu.dma_semaphore, #tpu.memory_space<semaphore_mem>>)
      %add3A_132 = arith.constant 1 : i32
      %add3A_133 = arith.addi %mul3A_91, %add3A_132 : i32
      %mul3A_134 = arith.constant 80 : i32
      %mul3A_135 = arith.muli %add3A_133, %mul3A_134 : i32
      %multiple_of3A_136 = tpu.assume_multiple %mul3A_135, 8 : i32
      %dma_wait3A_137 = tpu.memref_slice %arg6[%multiple_of3A_136] : memref<10000xi32, #tpu.memory_space<vmem>> -> memref<80xi32, #tpu.memory_space<vmem>>
      %dma_wait3A_138 = arith.constant 0 : i32
      %dma_wait3A_139 = arith.constant 0 : i32
      %dma_wait3A_140 = tpu.memref_slice %arg2[%dma_wait3A_138, %dma_wait3A_139] : memref<10000x128xf32, #tpu.memory_space<hbm>> -> memref<10000x128xf32, #tpu.memory_space<hbm>>
      tpu.wait_indirect_dma semaphore(%arg15 : memref<!tpu.dma_semaphore, #tpu.memory_space<semaphore_mem>>) src(%dma_wait3A_140 : memref<10000x128xf32, #tpu.memory_space<hbm>>) dst(%arg11 : memref<80x128xf32, #tpu.memory_space<vmem>>)
      %add3A_141 = arith.constant 320000 : i32
      %add3A_142 = arith.addi %add3A_141, %mul3A_2 : i32
      %add3A_143 = arith.addi %add3A_142, %multiple_of3A_136 : i32
      %dma_wait3A_144 = tpu.memref_slice %arg3[%add3A_143] : memref<640000xi32, #tpu.memory_space<hbm>> -> memref<80xi32, #tpu.memory_space<hbm>>
      %dma_wait3A_145 = tpu.memref_slice %arg3[%add3A_143] : memref<640000xi32, #tpu.memory_space<hbm>> -> memref<80xi32, #tpu.memory_space<hbm>>
      tpu.wait_dma2 semaphore(%arg18 : memref<!tpu.dma_semaphore, #tpu.memory_space<semaphore_mem>>) src(%dma_wait3A_145 : memref<80xi32, #tpu.memory_space<hbm>>) dst(%arg8 : memref<80xi32, #tpu.memory_space<vmem>>)
      "tpu.region"() ({
        %run_scoped3A = tpu.sem_alloc : memref<!tpu.dma_semaphore, #tpu.memory_space<semaphore_mem>>
        %dma_start3A_174 = arith.constant 0 : i32
        %dma_start3A_175 = arith.constant 0 : i32
        %dma_start3A_176 = tpu.memref_slice %arg5[%dma_start3A_174, %dma_start3A_175] : memref<10000x128xf32, #tpu.memory_space<vmem_shared>> -> memref<10000x128xf32, #tpu.memory_space<vmem_shared>>
        tpu.enqueue_indirect_dma source(%arg11 : memref<80x128xf32, #tpu.memory_space<vmem>>) target(%dma_start3A_176 : memref<10000x128xf32, #tpu.memory_space<vmem_shared>>) offsets(%arg8 : memref<80xi32, #tpu.memory_space<vmem>>) semaphore(%run_scoped3A : memref<!tpu.dma_semaphore, #tpu.memory_space<semaphore_mem>>) {add = true}
        %dma_wait3A_177 = arith.constant 0 : i32
        %dma_wait3A_178 = arith.constant 0 : i32
        %dma_wait3A_179 = tpu.memref_slice %arg5[%dma_wait3A_177, %dma_wait3A_178] : memref<10000x128xf32, #tpu.memory_space<vmem_shared>> -> memref<10000x128xf32, #tpu.memory_space<vmem_shared>>
        tpu.wait_indirect_dma semaphore(%run_scoped3A : memref<!tpu.dma_semaphore, #tpu.memory_space<semaphore_mem>>) src(%arg11 : memref<80x128xf32, #tpu.memory_space<vmem>>) dst(%dma_wait3A_179 : memref<10000x128xf32, #tpu.memory_space<vmem_shared>>)
        tpu.yield
      }) : () -> ()
      %add3A_146 = arith.constant 4 : i32
      %add3A_147 = arith.addi %mul3A_91, %add3A_146 : i32
      %mul3A_148 = arith.constant 80 : i32
      %mul3A_149 = arith.muli %add3A_147, %mul3A_148 : i32
      %multiple_of3A_150 = tpu.assume_multiple %mul3A_149, 8 : i32
      %add3A_151 = arith.constant 320000 : i32
      %add3A_152 = arith.addi %add3A_151, %mul3A_2 : i32
      %add3A_153 = arith.addi %add3A_152, %multiple_of3A_150 : i32
      %dma_start3A_154 = tpu.memref_slice %arg3[%add3A_153] : memref<640000xi32, #tpu.memory_space<hbm>> -> memref<80xi32, #tpu.memory_space<hbm>>
      %dma_start3A_155 = tpu.memref_slice %arg3[%add3A_153] : memref<640000xi32, #tpu.memory_space<hbm>> -> memref<80xi32, #tpu.memory_space<hbm>>
      tpu.enqueue_dma source(%dma_start3A_155 : memref<80xi32, #tpu.memory_space<hbm>>) target(%arg8 : memref<80xi32, #tpu.memory_space<vmem>>) target_semaphore(%arg18 : memref<!tpu.dma_semaphore, #tpu.memory_space<semaphore_mem>>)
      %dma_start3A_156 = tpu.memref_slice %arg6[%multiple_of3A_150] : memref<10000xi32, #tpu.memory_space<vmem>> -> memref<80xi32, #tpu.memory_space<vmem>>
      %dma_start3A_157 = arith.constant 0 : i32
      %dma_start3A_158 = arith.constant 0 : i32
      %dma_start3A_159 = tpu.memref_slice %arg2[%dma_start3A_157, %dma_start3A_158] : memref<10000x128xf32, #tpu.memory_space<hbm>> -> memref<10000x128xf32, #tpu.memory_space<hbm>>
      tpu.enqueue_indirect_dma source(%dma_start3A_159 : memref<10000x128xf32, #tpu.memory_space<hbm>>) target(%arg11 : memref<80x128xf32, #tpu.memory_space<vmem>>) offsets(%dma_start3A_156 : memref<80xi32, #tpu.memory_space<vmem>>) semaphore(%arg15 : memref<!tpu.dma_semaphore, #tpu.memory_space<semaphore_mem>>)
      %add3A_160 = arith.constant 2 : i32
      %add3A_161 = arith.addi %mul3A_91, %add3A_160 : i32
      %mul3A_162 = arith.constant 80 : i32
      %mul3A_163 = arith.muli %add3A_161, %mul3A_162 : i32
      %multiple_of3A_164 = tpu.assume_multiple %mul3A_163, 8 : i32
      %dma_wait3A_165 = tpu.memref_slice %arg6[%multiple_of3A_164] : memref<10000xi32, #tpu.memory_space<vmem>> -> memref<80xi32, #tpu.memory_space<vmem>>
      %dma_wait3A_166 = arith.constant 0 : i32
      %dma_wait3A_167 = arith.constant 0 : i32
      %dma_wait3A_168 = tpu.memref_slice %arg2[%dma_wait3A_166, %dma_wait3A_167] : memref<10000x128xf32, #tpu.memory_space<hbm>> -> memref<10000x128xf32, #tpu.memory_space<hbm>>
      tpu.wait_indirect_dma semaphore(%arg16 : memref<!tpu.dma_semaphore, #tpu.memory_space<semaphore_mem>>) src(%dma_wait3A_168 : memref<10000x128xf32, #tpu.memory_space<hbm>>) dst(%arg12 : memref<80x128xf32, #tpu.memory_space<vmem>>)
      %add3A_169 = arith.constant 320000 : i32
      %add3A_170 = arith.addi %add3A_169, %mul3A_2 : i32
      %add3A_171 = arith.addi %add3A_170, %multiple_of3A_164 : i32
      %dma_wait3A_172 = tpu.memref_slice %arg3[%add3A_171] : memref<640000xi32, #tpu.memory_space<hbm>> -> memref<80xi32, #tpu.memory_space<hbm>>
      %dma_wait3A_173 = tpu.memref_slice %arg3[%add3A_171] : memref<640000xi32, #tpu.memory_space<hbm>> -> memref<80xi32, #tpu.memory_space<hbm>>
      tpu.wait_dma2 semaphore(%arg19 : memref<!tpu.dma_semaphore, #tpu.memory_space<semaphore_mem>>) src(%dma_wait3A_173 : memref<80xi32, #tpu.memory_space<hbm>>) dst(%arg9 : memref<80xi32, #tpu.memory_space<vmem>>)
      "tpu.region"() ({
        %run_scoped3A = tpu.sem_alloc : memref<!tpu.dma_semaphore, #tpu.memory_space<semaphore_mem>>
        %dma_start3A_174 = arith.constant 0 : i32
        %dma_start3A_175 = arith.constant 0 : i32
        %dma_start3A_176 = tpu.memref_slice %arg5[%dma_start3A_174, %dma_start3A_175] : memref<10000x128xf32, #tpu.memory_space<vmem_shared>> -> memref<10000x128xf32, #tpu.memory_space<vmem_shared>>
        tpu.enqueue_indirect_dma source(%arg12 : memref<80x128xf32, #tpu.memory_space<vmem>>) target(%dma_start3A_176 : memref<10000x128xf32, #tpu.memory_space<vmem_shared>>) offsets(%arg9 : memref<80xi32, #tpu.memory_space<vmem>>) semaphore(%run_scoped3A : memref<!tpu.dma_semaphore, #tpu.memory_space<semaphore_mem>>) {add = true}
        %dma_wait3A_177 = arith.constant 0 : i32
        %dma_wait3A_178 = arith.constant 0 : i32
        %dma_wait3A_179 = tpu.memref_slice %arg5[%dma_wait3A_177, %dma_wait3A_178] : memref<10000x128xf32, #tpu.memory_space<vmem_shared>> -> memref<10000x128xf32, #tpu.memory_space<vmem_shared>>
        tpu.wait_indirect_dma semaphore(%run_scoped3A : memref<!tpu.dma_semaphore, #tpu.memory_space<semaphore_mem>>) src(%arg12 : memref<80x128xf32, #tpu.memory_space<vmem>>) dst(%dma_wait3A_179 : memref<10000x128xf32, #tpu.memory_space<vmem_shared>>)
        tpu.yield
      }) : () -> ()
    }
    %scan3A_58 = arith.constant 41 : i32
    %multiple_of3A_59 = arith.constant 9840 : i32
    %multiple_of3A_60 = tpu.assume_multiple %multiple_of3A_59, 8 : i32
    %dma_wait3A = tpu.memref_slice %arg6[%multiple_of3A_60] : memref<10000xi32, #tpu.memory_space<vmem>> -> memref<80xi32, #tpu.memory_space<vmem>>
    %dma_wait3A_61 = arith.constant 0 : i32
    %dma_wait3A_62 = arith.constant 0 : i32
    %dma_wait3A_63 = tpu.memref_slice %arg2[%dma_wait3A_61, %dma_wait3A_62] : memref<10000x128xf32, #tpu.memory_space<hbm>> -> memref<10000x128xf32, #tpu.memory_space<hbm>>
    tpu.wait_indirect_dma semaphore(%arg14 : memref<!tpu.dma_semaphore, #tpu.memory_space<semaphore_mem>>) src(%dma_wait3A_63 : memref<10000x128xf32, #tpu.memory_space<hbm>>) dst(%arg10 : memref<80x128xf32, #tpu.memory_space<vmem>>)
    %add3A_64 = arith.constant 320000 : i32
    %add3A_65 = arith.addi %add3A_64, %mul3A_2 : i32
    %add3A_66 = arith.addi %add3A_65, %multiple_of3A_60 : i32
    %dma_wait3A_67 = tpu.memref_slice %arg3[%add3A_66] : memref<640000xi32, #tpu.memory_space<hbm>> -> memref<80xi32, #tpu.memory_space<hbm>>
    %dma_wait3A_68 = tpu.memref_slice %arg3[%add3A_66] : memref<640000xi32, #tpu.memory_space<hbm>> -> memref<80xi32, #tpu.memory_space<hbm>>
    tpu.wait_dma2 semaphore(%arg17 : memref<!tpu.dma_semaphore, #tpu.memory_space<semaphore_mem>>) src(%dma_wait3A_68 : memref<80xi32, #tpu.memory_space<hbm>>) dst(%arg7 : memref<80xi32, #tpu.memory_space<vmem>>)
    "tpu.region"() ({
      %run_scoped3A = tpu.sem_alloc : memref<!tpu.dma_semaphore, #tpu.memory_space<semaphore_mem>>
      %dma_start3A_89 = arith.constant 0 : i32
      %dma_start3A_90 = arith.constant 0 : i32
      %dma_start3A_91 = tpu.memref_slice %arg5[%dma_start3A_89, %dma_start3A_90] : memref<10000x128xf32, #tpu.memory_space<vmem_shared>> -> memref<10000x128xf32, #tpu.memory_space<vmem_shared>>
      tpu.enqueue_indirect_dma source(%arg10 : memref<80x128xf32, #tpu.memory_space<vmem>>) target(%dma_start3A_91 : memref<10000x128xf32, #tpu.memory_space<vmem_shared>>) offsets(%arg7 : memref<80xi32, #tpu.memory_space<vmem>>) semaphore(%run_scoped3A : memref<!tpu.dma_semaphore, #tpu.memory_space<semaphore_mem>>) {add = true}
      %dma_wait3A_92 = arith.constant 0 : i32
      %dma_wait3A_93 = arith.constant 0 : i32
      %dma_wait3A_94 = tpu.memref_slice %arg5[%dma_wait3A_92, %dma_wait3A_93] : memref<10000x128xf32, #tpu.memory_space<vmem_shared>> -> memref<10000x128xf32, #tpu.memory_space<vmem_shared>>
      tpu.wait_indirect_dma semaphore(%run_scoped3A : memref<!tpu.dma_semaphore, #tpu.memory_space<semaphore_mem>>) src(%arg10 : memref<80x128xf32, #tpu.memory_space<vmem>>) dst(%dma_wait3A_94 : memref<10000x128xf32, #tpu.memory_space<vmem_shared>>)
      tpu.yield
    }) : () -> ()
    %multiple_of3A_69 = arith.constant 9920 : i32
    %multiple_of3A_70 = tpu.assume_multiple %multiple_of3A_69, 8 : i32
    %dma_wait3A_71 = tpu.memref_slice %arg6[%multiple_of3A_70] : memref<10000xi32, #tpu.memory_space<vmem>> -> memref<80xi32, #tpu.memory_space<vmem>>
    %dma_wait3A_72 = arith.constant 0 : i32
    %dma_wait3A_73 = arith.constant 0 : i32
    %dma_wait3A_74 = tpu.memref_slice %arg2[%dma_wait3A_72, %dma_wait3A_73] : memref<10000x128xf32, #tpu.memory_space<hbm>> -> memref<10000x128xf32, #tpu.memory_space<hbm>>
    tpu.wait_indirect_dma semaphore(%arg15 : memref<!tpu.dma_semaphore, #tpu.memory_space<semaphore_mem>>) src(%dma_wait3A_74 : memref<10000x128xf32, #tpu.memory_space<hbm>>) dst(%arg11 : memref<80x128xf32, #tpu.memory_space<vmem>>)
    %add3A_75 = arith.constant 320000 : i32
    %add3A_76 = arith.addi %add3A_75, %mul3A_2 : i32
    %add3A_77 = arith.addi %add3A_76, %multiple_of3A_70 : i32
    %dma_wait3A_78 = tpu.memref_slice %arg3[%add3A_77] : memref<640000xi32, #tpu.memory_space<hbm>> -> memref<80xi32, #tpu.memory_space<hbm>>
    %dma_wait3A_79 = tpu.memref_slice %arg3[%add3A_77] : memref<640000xi32, #tpu.memory_space<hbm>> -> memref<80xi32, #tpu.memory_space<hbm>>
    tpu.wait_dma2 semaphore(%arg18 : memref<!tpu.dma_semaphore, #tpu.memory_space<semaphore_mem>>) src(%dma_wait3A_79 : memref<80xi32, #tpu.memory_space<hbm>>) dst(%arg8 : memref<80xi32, #tpu.memory_space<vmem>>)
    "tpu.region"() ({
      %run_scoped3A = tpu.sem_alloc : memref<!tpu.dma_semaphore, #tpu.memory_space<semaphore_mem>>
      %dma_start3A_89 = arith.constant 0 : i32
      %dma_start3A_90 = arith.constant 0 : i32
      %dma_start3A_91 = tpu.memref_slice %arg5[%dma_start3A_89, %dma_start3A_90] : memref<10000x128xf32, #tpu.memory_space<vmem_shared>> -> memref<10000x128xf32, #tpu.memory_space<vmem_shared>>
      tpu.enqueue_indirect_dma source(%arg11 : memref<80x128xf32, #tpu.memory_space<vmem>>) target(%dma_start3A_91 : memref<10000x128xf32, #tpu.memory_space<vmem_shared>>) offsets(%arg8 : memref<80xi32, #tpu.memory_space<vmem>>) semaphore(%run_scoped3A : memref<!tpu.dma_semaphore, #tpu.memory_space<semaphore_mem>>) {add = true}
      %dma_wait3A_92 = arith.constant 0 : i32
      %dma_wait3A_93 = arith.constant 0 : i32
      %dma_wait3A_94 = tpu.memref_slice %arg5[%dma_wait3A_92, %dma_wait3A_93] : memref<10000x128xf32, #tpu.memory_space<vmem_shared>> -> memref<10000x128xf32, #tpu.memory_space<vmem_shared>>
      tpu.wait_indirect_dma semaphore(%run_scoped3A : memref<!tpu.dma_semaphore, #tpu.memory_space<semaphore_mem>>) src(%arg11 : memref<80x128xf32, #tpu.memory_space<vmem>>) dst(%dma_wait3A_94 : memref<10000x128xf32, #tpu.memory_space<vmem_shared>>)
      tpu.yield
    }) : () -> ()
    %barrier3A_80 = arith.constant 0 : index
    tpu.barrier barrier_id(%barrier3A_80)
    %mul3A_81 = arith.constant 10000 : i32
    %mul3A_82 = arith.muli %arg0, %mul3A_81 : i32
    %add3A_83 = arith.addi %mul3A_82, %mul3A_4 : i32
    "tpu.region"() ({
      %run_scoped3A = tpu.sem_alloc : memref<!tpu.dma_semaphore, #tpu.memory_space<semaphore_mem>>
      %dma_start3A_89 = arith.constant 0 : i32
      %dma_start3A_90 = tpu.memref_slice %arg4[%add3A_83, %dma_start3A_89] : memref<20000x128xf32, #tpu.memory_space<hbm>> -> memref<624x128xf32, #tpu.memory_space<hbm>>
      %dma_start3A_91 = arith.constant 0 : i32
      %dma_start3A_92 = tpu.memref_slice %arg5[%mul3A_4, %dma_start3A_91] : memref<10000x128xf32, #tpu.memory_space<vmem_shared>> -> memref<624x128xf32, #tpu.memory_space<vmem_shared>>
      tpu.enqueue_dma source(%dma_start3A_92 : memref<624x128xf32, #tpu.memory_space<vmem_shared>>) target(%dma_start3A_90 : memref<624x128xf32, #tpu.memory_space<hbm>>) target_semaphore(%run_scoped3A : memref<!tpu.dma_semaphore, #tpu.memory_space<semaphore_mem>>)
      %dma_wait3A_93 = arith.constant 0 : i32
      %dma_wait3A_94 = tpu.memref_slice %arg4[%add3A_83, %dma_wait3A_93] : memref<20000x128xf32, #tpu.memory_space<hbm>> -> memref<624x128xf32, #tpu.memory_space<hbm>>
      %dma_wait3A_95 = arith.constant 0 : i32
      %dma_wait3A_96 = tpu.memref_slice %arg5[%mul3A_4, %dma_wait3A_95] : memref<10000x128xf32, #tpu.memory_space<vmem_shared>> -> memref<624x128xf32, #tpu.memory_space<vmem_shared>>
      tpu.wait_dma2 semaphore(%run_scoped3A : memref<!tpu.dma_semaphore, #tpu.memory_space<semaphore_mem>>) src(%dma_wait3A_96 : memref<624x128xf32, #tpu.memory_space<vmem_shared>>) dst(%dma_wait3A_94 : memref<624x128xf32, #tpu.memory_space<hbm>>)
      tpu.yield
    }) : () -> ()
    %eq3A_84 = arith.constant 15 : i32
    %eq3A_85 = arith.cmpi eq, %arg1, %eq3A_84 : i32
    %convert_element_type3A_86 = arith.extui %eq3A_85 : i1 to i32
    %cond3A_87 = arith.constant 0 : i32
    %cond3A_88 = arith.cmpi ne, %convert_element_type3A_86, %cond3A_87 : i32
    scf.if %cond3A_88 {
      %mul3A_89 = arith.constant 10000 : i32
      %mul3A_90 = arith.muli %arg0, %mul3A_89 : i32
      %add3A_91 = arith.constant 9984 : i32
      %add3A_92 = arith.addi %mul3A_90, %add3A_91 : i32
      "tpu.region"() ({
        %run_scoped3A = tpu.sem_alloc : memref<!tpu.dma_semaphore, #tpu.memory_space<semaphore_mem>>
        %dma_start3A_93 = arith.constant 0 : i32
        %dma_start3A_94 = tpu.memref_slice %arg4[%add3A_92, %dma_start3A_93] : memref<20000x128xf32, #tpu.memory_space<hbm>> -> memref<16x128xf32, #tpu.memory_space<hbm>>
        %dma_start3A_95 = arith.constant 9984 : i32
        %dma_start3A_96 = arith.constant 0 : i32
        %dma_start3A_97 = tpu.memref_slice %arg5[%dma_start3A_95, %dma_start3A_96] : memref<10000x128xf32, #tpu.memory_space<vmem_shared>> -> memref<16x128xf32, #tpu.memory_space<vmem_shared>>
        tpu.enqueue_dma source(%dma_start3A_97 : memref<16x128xf32, #tpu.memory_space<vmem_shared>>) target(%dma_start3A_94 : memref<16x128xf32, #tpu.memory_space<hbm>>) target_semaphore(%run_scoped3A : memref<!tpu.dma_semaphore, #tpu.memory_space<semaphore_mem>>)
        %dma_wait3A_98 = arith.constant 0 : i32
        %dma_wait3A_99 = tpu.memref_slice %arg4[%add3A_92, %dma_wait3A_98] : memref<20000x128xf32, #tpu.memory_space<hbm>> -> memref<16x128xf32, #tpu.memory_space<hbm>>
        %dma_wait3A_100 = arith.constant 9984 : i32
        %dma_wait3A_101 = arith.constant 0 : i32
        %dma_wait3A_102 = tpu.memref_slice %arg5[%dma_wait3A_100, %dma_wait3A_101] : memref<10000x128xf32, #tpu.memory_space<vmem_shared>> -> memref<16x128xf32, #tpu.memory_space<vmem_shared>>
        tpu.wait_dma2 semaphore(%run_scoped3A : memref<!tpu.dma_semaphore, #tpu.memory_space<semaphore_mem>>) src(%dma_wait3A_102 : memref<16x128xf32, #tpu.memory_space<vmem_shared>>) dst(%dma_wait3A_99 : memref<16x128xf32, #tpu.memory_space<hbm>>)
        tpu.yield
      }) : () -> ()
    } else {
    }
    return
  }
}

module attributes {stable_mosaic.version = 14 : i64} {
  func.func @body(%arg0: i32, %arg1: memref<2000x128xf32, #tpu.memory_space<vmem>>, %arg2: memref<2000x128xf32, #tpu.memory_space<vmem>>, %arg3: memref<2000x128xf32, #tpu.memory_space<vmem>>, %arg4: memref<128x128xf32, #tpu.memory_space<vmem>>, %arg5: memref<1x128xf32, #tpu.memory_space<vmem>>, %arg6: memref<2000x128xf32, #tpu.memory_space<vmem>>) attributes {dimension_semantics = [#tpu.dimension_semantics<arbitrary>], iteration_bounds = array<i64: 5>, scalar_prefetch = 0 : i64, scratch_operands = 0 : i64, tpu.core_type = #tpu.core_type<tc>, window_params = [{transform_indices = @transform_0, window_bounds = array<i64: 2000, 128>}, {transform_indices = @transform_1, window_bounds = array<i64: 2000, 128>}, {transform_indices = @transform_2, window_bounds = array<i64: 2000, 128>}, {pipeline_mode = #tpu.pipeline_mode<synchronous>, transform_indices = @transform_3, window_bounds = array<i64: 128, 128>}, {pipeline_mode = #tpu.pipeline_mode<synchronous>, transform_indices = @transform_4, window_bounds = array<i64: 1, 128>}, {transform_indices = @transform_5, window_bounds = array<i64: 2000, 128>}]} {
    %get3A = arith.constant 0 : index
    %get3A_0 = arith.constant 0 : index
    %get3A_1 = vector.load %arg1[%get3A, %get3A_0] : memref<2000x128xf32, #tpu.memory_space<vmem>>, vector<2000x128xf32>
    %get3A_2 = arith.constant 0 : index
    %get3A_3 = arith.constant 0 : index
    %get3A_4 = vector.load %arg2[%get3A_2, %get3A_3] : memref<2000x128xf32, #tpu.memory_space<vmem>>, vector<2000x128xf32>
    %add3A = arith.addf %get3A_1, %get3A_4 : vector<2000x128xf32>
    %get3A_5 = arith.constant 0 : index
    %get3A_6 = arith.constant 0 : index
    %get3A_7 = vector.load %arg3[%get3A_5, %get3A_6] : memref<2000x128xf32, #tpu.memory_space<vmem>>, vector<2000x128xf32>
    %add3A_8 = arith.addf %add3A, %get3A_7 : vector<2000x128xf32>
    %get3A_9 = arith.constant 0 : index
    %get3A_10 = arith.constant 0 : index
    %get3A_11 = vector.load %arg4[%get3A_9, %get3A_10] : memref<128x128xf32, #tpu.memory_space<vmem>>, vector<128x128xf32>
    %dot_general3A = arith.constant dense<0.000000e+00> : vector<2000x128xf32>
    %dot_general3A_12 = tpu.matmul %add3A_8, %get3A_11, %dot_general3A {dimension_numbers = #tpu.dot_dimension_numbers<[1], [1], [0], [0], [0, 0, 1, 0], [], []>, transpose_lhs_hint = false} : vector<2000x128xf32>, vector<128x128xf32>, vector<2000x128xf32> -> vector<2000x128xf32>
    %get3A_13 = arith.constant 0 : index
    %get3A_14 = arith.constant 0 : index
    %get3A_15 = vector.load %arg5[%get3A_13, %get3A_14] : memref<1x128xf32, #tpu.memory_space<vmem>>, vector<1x128xf32>
    %add3A_16 = vector.broadcast %get3A_15 : vector<1x128xf32> to vector<2000x128xf32>
    %add3A_17 = arith.addf %dot_general3A_12, %add3A_16 : vector<2000x128xf32>
    %swap3A = arith.constant 0 : index
    %swap3A_18 = arith.constant 0 : index
    %swap3A_19 = vector.load %arg6[%swap3A, %swap3A_18] : memref<2000x128xf32, #tpu.memory_space<vmem>>, vector<2000x128xf32>
    tpu.vector_store %arg6[%swap3A, %swap3A_18], %add3A_17 {strides = array<i32>} : memref<2000x128xf32, #tpu.memory_space<vmem>>, vector<2000x128xf32>,
    return
  }
  func.func @transform_0(%arg0: i32) -> (i32, i32) {
    %c0_i32 = arith.constant 0 : i32
    %c0_i32_0 = arith.constant 0 : i32
    return %arg0, %c0_i32 : i32, i32
  }
  func.func @transform_1(%arg0: i32) -> (i32, i32) {
    %add3A = arith.constant 5 : i32
    %add3A_0 = arith.addi %arg0, %add3A : i32
    %c0_i32 = arith.constant 0 : i32
    %c0_i32_1 = arith.constant 0 : i32
    return %add3A_0, %c0_i32 : i32, i32
  }
  func.func @transform_2(%arg0: i32) -> (i32, i32) {
    %c0_i32 = arith.constant 0 : i32
    %c0_i32_0 = arith.constant 0 : i32
    return %arg0, %c0_i32 : i32, i32
  }
  func.func @transform_3(%arg0: i32) -> (i32, i32) {
    %c0_i32 = arith.constant 0 : i32
    %c0_i32_0 = arith.constant 0 : i32
    %c0_i32_1 = arith.constant 0 : i32
    return %c0_i32, %c0_i32_0 : i32, i32
  }
  func.func @transform_4(%arg0: i32) -> (i32, i32) {
    %c0_i32 = arith.constant 0 : i32
    %c0_i32_0 = arith.constant 0 : i32
    %c0_i32_1 = arith.constant 0 : i32
    return %c0_i32, %c0_i32_0 : i32, i32
  }
  func.func @transform_5(%arg0: i32) -> (i32, i32) {
    %c0_i32 = arith.constant 0 : i32
    %c0_i32_0 = arith.constant 0 : i32
    return %arg0, %c0_i32 : i32, i32
  }
}

</mosaic_0001>

<sc_bundles>
// kernel: kernel.4.cloned.1.call-start
scs
__scs_entry_jumppad:
0x0: {  	(pc) =	sbr.rel $0x88, $3  }
0x1: {  	(tag) =	ssettag $0x0;
	lr =	simm.s32 $0x1  }
0x2: {  	[smem:$0x3F9D] =	sst lr;
	_ =	strace $0xD0000000  }
0x3: {  	_ = 	snop  }
0x4: {  	_ = 	snop  }
0x5: {  	_ = 	snop  }
0x6: {  	_ = 	snop  }
0x7: {  	_ = 	snop  }
__scs_overlays_trampoline_lowered:
0x8: {  	[smem:$0x3FAC] =	sst s0  }
0x9: {  	[smem:$0x3FAD] =	sst s1  }
0xa: {  	[smem:$0x3FAE] =	sst s2  }
0xb: {  	[smem:$0x3FAF] =	sst s3  }
0xc: {  	[smem:$0x3FB0] =	sst s4  }
0xd: {  	[smem:$0x3FB1] =	sst s5  }
0xe: {  	[smem:$0x3FB2] =	sst s6  }
0xf: {  	[smem:$0x3FB3] =	sst s7  }
0x10: {  	[smem:$0x3FB4] =	sst s8  }
0x11: {  	[smem:$0x3FB5] =	sst s9;
	s0 =	simm.s32 @!p0 $0x0  }
0x12: {  	s1 =	sld [smem:$0x3F9B];
	s0 =	simm.s32 @p0 $0x1  }
0x13: {  	[smem:$0x3FB6] =	sst s0;
	s0 =	simm.s32 @!p1 $0x0  }
0x14: {  	s2 =	sld [smem:$0x3F9A];
	s0 =	simm.s32 @p1 $0x1  }
0x15: {  	[smem:$0x3FB7] =	sst s0;
	s0 =	simm.s32 @!p2 $0x0  }
0x16: {  	s3 =	sld [smem:$0x3FDB];
	s0 =	simm.s32 @p2 $0x1  }
0x17: {  	s4 =	simm.s32 $0x1BF5;
	[smem:$0x3FB9] =	sst s0  }
0x18: {  	s0 =	sld [smem:$0x3F9C];
	_ =	swait.ge [sflag:s4], $0x0  }
0x19: {  	s7 =	sld [smem:$0x3F9D]  }
0x1a: {  	s8 =	sadd.s32 $0xFFFFE003, lr  }
0x1b: {  	s9 =	sadd.s32 $0xFFFFFEF7, lr;
	s5 =	simm.s32 $0xFFFFFFFF;
	p2 =	slt.u32 s8, $0xFFFFF086  }
0x1c: {  	p1 =	slt.u32 s9, $0xF7A;
	s5 =	simm.s32 @!p2 $0x0  }
0x1d: {  	s5 =	simm.s32 @p1 $0x1;
	p0 =	seq.s32 s7, s2  }
0x1e: {  	s7 =	smul.u32 @!p0 $0xF7A, s2;
	p2 =	seq.s32 @!p0 s5, $0x0  }
0x1f: {  	s9 =	smul.u32 $0xF7A, s1;
	s8 =	simm.s32 @!p0 $0x1BF5;
	p2 =	por !p2, p0  }
0x20: {  	[sflag:s8] =	ssyncset.s32 @!p0 $0xFFFFF086;
	s6 =	sadd.s32 @!p0 s3, s7;
	s7 =	simm.s32 @!p0 $0x108  }
0x21: {  	s3 =	sadd.s32 s3, s9;
	s6 =	sadd.s32 @!p0 $0x88, s6;
	s7 =	simm.s32 @p2 $0x1082  }
0x22: {  	[simem:s7], [sflag:s8] =	dma.local @!p0 [hbm:s6], $0xF7A  }
0x23: {  	s9 =	sor.u32 $0xD0000000, s2;
	s6 =	simm.s32 $0x108;
	_ =	swait.ge @!p0 [sflag:s8], $0x0  }
0x24: {  	s3 =	sadd.s32 $0x88, s3;
	s6 =	simm.s32 @!p1 $0x1082;
	[sflag:s4] =	ssyncset.s32 $0xFFFFF086  }
0x25: {  	[simem:s6], [sflag:s4] =	dma.local [hbm:s3], $0xF7A  }
0x26: {  	[smem:$0x3F9D] =	sst s1;
	(tag) =	ssettag s2;
	_ =	strace s9  }
0x27: {  	s1 =	sld [smem:$0x3FAD]  }
0x28: {  	s2 =	sld [smem:$0x3FAE]  }
0x29: {  	s4 =	sld [smem:$0x3FB0]  }
0x2a: {  	p0 =	seq.s32 s5, $0x0;
	s5 =	sld [smem:$0x3FB1]  }
0x2b: {  	s6 =	sld [smem:$0x3FB2]  }
0x2c: {  	s7 =	sld [smem:$0x3FB3]  }
0x2d: {  	s3 =	simm.s32 $0x108;
	s8 =	sld [smem:$0x3FB4]  }
0x2e: {  	s3 =	simm.s32 @!p0 $0x1082;
	s9 =	sld [smem:$0x3FB5]  }
0x2f: {  	lr =	sadd.s32 s0, s3;
	s0 =	sld [smem:$0x3FAC]  }
0x30: {  	s3 =	sld [smem:$0x3FAF]  }
0x31: {  	[smem:$0x3FB8] =	sst s10  }
0x32: {  	s10 =	sld [smem:$0x3FB6];
	_ =	sdelay $0x3  }
0x33: {  	p0 =	seq.s32 s10, $0x1;
	s10 =	sld [smem:$0x3FB8];
	_ =	sdelay $0x3  }
0x34: {  	[smem:$0x3FB8] =	sst s10  }
0x35: {  	s10 =	sld [smem:$0x3FB7];
	_ =	sdelay $0x3  }
0x36: {  	p1 =	seq.s32 s10, $0x1;
	s10 =	sld [smem:$0x3FB8];
	_ =	sdelay $0x3  }
0x37: {  	[smem:$0x3FB8] =	sst s10  }
0x38: {  	s10 =	sld [smem:$0x3FB9]  }
0x39: {  	_ = 	snop;
	(pc) =	sbr.ind lr, $3  }
0x3a: {  	_ = 	snop  }
0x3b: {  	_ = 	snop  }
0x3c: {  	p2 =	seq.s32 s10, $0x1;
	s10 =	sld [smem:$0x3FB8]  }
0x3d: {  	_ =	shalt  }
0x3e: {  	_ =	shalt  }
0x3f: {  	_ =	shalt  }
0x40: {  	_ =	shalt  }
0x41: {  	_ =	shalt  }
0x42: {  	_ =	shalt  }
0x43: {  	_ =	shalt  }
0x44: {  	_ =	shalt  }
0x45: {  	_ =	shalt  }
0x46: {  	_ =	shalt  }
0x47: {  	_ =	shalt  }
0x48: {  	_ =	shalt  }
0x49: {  	_ =	shalt  }
0x4a: {  	_ =	shalt  }
0x4b: {  	_ =	shalt  }
0x4c: {  	_ =	shalt  }
0x4d: {  	_ =	shalt  }
0x4e: {  	_ =	shalt  }
0x4f: {  	_ =	shalt  }
0x50: {  	_ =	shalt  }
0x51: {  	_ =	shalt  }
0x52: {  	_ =	shalt  }
0x53: {  	_ =	shalt  }
0x54: {  	_ =	shalt  }
0x55: {  	_ =	shalt  }
0x56: {  	_ =	shalt  }
0x57: {  	_ =	shalt  }
0x58: {  	_ =	shalt  }
0x59: {  	_ =	shalt  }
0x5a: {  	_ =	shalt  }
0x5b: {  	_ =	shalt  }
0x5c: {  	_ =	shalt  }
0x5d: {  	_ =	shalt  }
0x5e: {  	_ =	shalt  }
0x5f: {  	_ =	shalt  }
0x60: {  	_ =	shalt  }
0x61: {  	_ =	shalt  }
0x62: {  	_ =	shalt  }
0x63: {  	_ =	shalt  }
0x64: {  	_ =	shalt  }
0x65: {  	_ =	shalt  }
0x66: {  	_ =	shalt  }
0x67: {  	_ =	shalt  }
0x68: {  	_ =	shalt  }
0x69: {  	_ =	shalt  }
0x6a: {  	_ =	shalt  }
0x6b: {  	_ =	shalt  }
0x6c: {  	_ =	shalt  }
0x6d: {  	_ =	shalt  }
0x6e: {  	_ =	shalt  }
0x6f: {  	_ =	shalt  }
0x70: {  	_ =	shalt  }
0x71: {  	_ =	shalt  }
0x72: {  	_ =	shalt  }
0x73: {  	_ =	shalt  }
0x74: {  	_ =	shalt  }
0x75: {  	_ =	shalt  }
0x76: {  	_ =	shalt  }
0x77: {  	_ =	shalt  }
0x78: {  	_ =	shalt  }
0x79: {  	_ =	shalt  }
0x7a: {  	_ =	shalt  }
0x7b: {  	_ =	shalt  }
0x7c: {  	_ =	shalt  }
0x7d: {  	_ =	shalt  }
0x7e: {  	_ =	shalt  }
0x7f: {  	_ =	shalt  }
0x80: {  	_ =	shalt  }
0x81: {  	_ =	shalt  }
0x82: {  	_ =	shalt  }
0x83: {  	_ =	shalt  }
0x84: {  	_ =	shalt  }
0x85: {  	_ =	shalt  }
0x86: {  	_ =	shalt  }
0x87: {  	_ =	shalt  }
.Lfunc_end0:
.L_simem_size_0:
called_computation_lowered:
.L_overlay_start_0:
0x88: {  	s2 =	sld [smem:$0x3FD9]  }
0x89: {  	s3 =	sld [smem:$0x3FFE];
	_ =	sdelay $0x1  }
0x8a: {  	s1 =	srdreg.scid  }
0x8b: {  	s0 =	sand.u32 $0x1, s1  }
0x8c: {  	s17 =	sshll.u32 s0, $0xA;
	s2 =	sadd.s32 s3, s2  }
0x8d: {  	s2 =	sadd.s32 s2, s17  }
0x8e: {  	[smem:$0x3FC4] =	sst s2  }
0x8f: {  	_ = 	snop  }
0x90: {  	s2 =	sld [smem:$0x3FC9]  }
0x91: {  	s18 =	sld [smem:$0x3FD0];
	(tm) =	ssettm $0x1  }
0x92: {  	s4 =	sld [smem:$0x3FFB];
	_ =	sdelay $0x3  }
0x93: {  	_ =	strace s4  }
0x94: {  	s4 =	sld [smem:$0x3FFC];
	_ =	sdelay $0x3  }
0x95: {  	_ =	strace s4  }
0x96: {  	s4 =	sld [smem:$0x3FFD];
	_ =	sdelay $0x3  }
0x97: {  	_ =	strace s4  }
0x98: {  	_ =	strace $0x8FFFFFFF  }
0x99: {  	s19 =	sld [smem:$0x3FDB];
	_ =	sdelay $0x1  }
0x9a: {  	s5 =	simm.s32 $_scs_section_size  }
0x9b: {  	s6 =	simm.s32 $_size__tile_overlayer_lowered;
	s7 =	simm.s32 $_tile_overlayer_lowered  }
0x9c: {  	s22 =	simm.s32 $0x1BFF;
	s21 =	sshll.u32 s7, $0x1;
	s4 =	sadd.s32 s5, s19  }
0x9d: {  	s8 =	simm.s32 $0x0;
	s20 =	sshll.u32 s6, $0x1;
	s6 =	sadd.s32 s21, s4  }
0x9e: {  	[timem:s8], [sflag:s22] =	dma.local [hbm:s6], s20  }
0x9f: {  	_ =	swait.ge [sflag:s22], s20  }
0xa0: {  	s5 =	ssub.s32 $0x0, s20;
	[sflag:s22] =	ssyncset.done $0x0  }
0xa1: {  	[sflag:s22] =	ssyncadd.s32 s5;
	_ =	sdelay $0x1  }
0xa2: {  	s23 =	simm.s32 $0x1B8B  }
0xa3: {  	_ =	swait.ge [sflag:s23], $0x1  }
0xa4: {  	[sflag:s23] =	ssyncset.done $0x0  }
0xa5: {  	s25 =	simm.s32 $0x1B8E;
	s24 =	sld [smem:$0x3FFE];
	[sflag:s23] =	ssyncadd.s32 $0xFFFFFFFF  }
0xa6: {  	s26 =	simm.s32 $execute0_lowered;
	[smem:$0x3FD2] =	sst s25  }
0xa7: {  	s6 =	sshll.u32 s26, $0x1;
	_ =	strace $0x80000046;
	[dreg:$0x1] =	wrdreg $0xFFFFFFFF  }
0xa8: {  	s28 =	simm.s32 $_size_execute0_lowered;
	s4 =	sadd.s32 s4, s6;
	[dreg:$0x0] =	wrdreg $0x0  }
0xa9: {  	s6 =	sshll.u32 s28, $0x1;
	[dreg:$0x2] =	wrdreg s4  }
0xaa: {  	[dreg:$0x3] =	wrdreg s6  }
0xab: {  	[dreg:$0x4] =	wrdreg $0xC0  }
0xac: {  	_ =	task [dreg:s8], $0x5FFFF  }
0xad: {  	[dreg:$0x1] =	wrdreg $0xFFFFFFFF  }
0xae: {  	[dreg:$0x0] =	wrdreg $0x60  }
0xaf: {  	[dreg:$0x2] =	wrdreg s2  }
0xb0: {  	[dreg:$0x3] =	wrdreg s18  }
0xb1: {  	[dreg:$0x4] =	wrdreg s24  }
0xb2: {  	[dreg:$0x5] =	wrdreg $0x0  }
0xb3: {  	[dreg:$0x6] =	wrdreg $0x9  }
0xb4: {  	_ =	task.clear_ibuf [dreg:s8], $0x7FFFF;
	_ =	strace $0x90000046  }
0xb5: {  	s29 =	simm.s32 $0x9;
	_ =	strace $0x80000048  }
0xb6: {  	_ =	swait.ge [sflag:s29], $0x1  }
0xb7: {  	[sflag:s29] =	ssyncadd.s32 $0xFFFFFFFF  }
0xb8: {  	_ =	strace $0x90000048  }
0xb9: {  	_ =	sfence  }
0xba: {  	s30 =	sld [smem:$0x0];
	_ =	sdelay $0x2  }
0xbb: {  	s31 =	sshll.u32 s1, $0xD;
	s1 =	sshrl.u32 s1, $0x2  }
0xbc: {  	s3 =	sand.u32 $0x4000, s31;
	s1 =	sadd.s32 s1, s30  }
0xbd: {  	s0 =	sor.u32 s3, s0;
	s1 =	sshll.u32 s1, $0x11  }
0xbe: {  	s0 =	sor.u32 s1, s0  }
0xbf: {  	s0 =	sadd.s32 $0x8F2B, s0  }
0xc0: {  	[sflag:s0] =	ssyncadd.remote.s32 $0x1  }
0xc1: {  	_ =	sfence.sel $0xFFFF  }
0xc2: {  	[dreg:$0x0] =	wrdreg $0xFFFFFFFF;
	(pc) =	sbr.abs _section_cstart, $3  }
0xc3: {  	[dreg:$0x1] =	wrdreg $0xFFFFFFFF  }
0xc4: {  	_ =	task.clear_ibuf [dreg:s8], $0x2FFFF;
	_ =	strace $0x9FFFFFFF  }
0xc5: {  	(tm) =	ssettm $0x7FFFFFFF  }
tec
execute0_lowered:
.L_overlay_start_1:
0x0: {  	(tag) =	ssettag $0x1  }
0x1: {  	s1 =	rddreg [dreg:$0x0]  }
0x2: {  	s0 =	rddreg [dreg:$0x1]  }
0x3: {  	s2 =	srdreg.scid;
	s5 =	rddreg [dreg:$0x2]  }
0x4: {  	s12 =	stileid.u32;
	s3 =	rddreg [dreg:$0x3];
	s28 =	simm.s32 $0x16000  }
0x5: {  	s29 =	simm.s32 $0x50;
	s30 =	simm.s32 $0x16180;
	s8 =	smul.u32 $0x4E000, s12  }
0x6: {  	s31 =	simm.s32 $0x16080;
	s2 =	sand.u32 $0x1, s2;
	s24 =	smul.u32 $0x2700, s12  }
0x7: {  	s4 =	sshll.u32 s12, $0x1;
	s5 =	sadd.s32 $0x1200, s5;
	s20 =	smul.u32 $0x4E20, s12  }
0x8: {  	s18 =	sadd.s32 $0x138000, s3;
	p0 =	sne.s32 s12, $0xF;
	s14 =	smul.u32 $0x27100, s2  }
0x9: {  	s6 =	sor.u32 s2, s4;
	s7 =	ssub.s32 $0x2, s2;
	s17 =	smul.u32 $0x138800, s2  }
0xa: {  	s12 =	simm.s32 $0x5;
	s6 =	smul.u32 $0x2710, s6;
	s9 =	sshrl.u32 s7, $0x1  }
0xb: {  	s4 =	simm.s32 $0x0;
	s2 =	smul.u32 $0x2710, s2;
	s7 =	ssub.s32 s7, s9  }
0xc: {  	[smem:$0x7FF] =	sst s4;
	s6 =	sshrl.u32 s6, $0x3;
	s23 =	smax.u32 s7, $0x1  }
0xd: {  	_ =	strace $0x80000047;
	s10 =	sadd.s32 s0, s6;
	[dreg:$0x13] =	wrdreg s23  }
0xe: {  	s8 =	sshrl.u32 s8, $0x2;
	s25 =	sadd.s32 $0x9C40, s10;
	[dreg:$0x5] =	wrdreg s10  }
0xf: {  	s6 =	sadd.s32 s8, s3;
	s26 =	sadd.s32 $0x9C4A, s10;
	[dreg:$0x6] =	wrdreg s25  }
0x10: {  	s22 =	sshrl.u32 s17, $0x3;
	s10 =	sadd.s32 $0x2000, s6;
	[dreg:$0x7] =	wrdreg s26  }
0x11: {  	s2 =	sadd.s32 s2, s20;
	s11 =	sadd.s32 $0x4000, s6;
	[dreg:$0x8] =	wrdreg s10  }
0x12: {  	s9 =	simm.s32 $0x1;
	s13 =	sadd.s32 $0x6000, s6;
	[dreg:$0x9] =	wrdreg s11  }
0x13: {  	s7 =	simm.s32 $0x16100;
	s15 =	sadd.s32 $0x8000, s6;
	[dreg:$0xa] =	wrdreg s13  }
0x14: {  	s8 =	sadd.s32 s24, s14;
	s16 =	sadd.s32 $0xA000, s6;
	[dreg:$0xb] =	wrdreg s15  }
0x15: {  	s24 =	sadd.s32 $0x4E340, s2;
	s19 =	sadd.s32 $0xE000, s6;
	[dreg:$0xc] =	wrdreg s16  }
0x16: {  	s14 =	simm.s32 $0x6;
	s21 =	sadd.s32 $0x12000, s6;
	[dreg:$0xe] =	wrdreg s19  }
0x17: {  	s8 =	sadd.s32 s5, s8;
	s5 =	sadd.s32 s5, s22;
	[dreg:$0x10] =	wrdreg s21  }
0x18: {  	s11 =	sadd.s32 $0xC000, s6;
	s13 =	sadd.s32 $0x10000, s6;
	[dreg:$0x11] =	wrdreg s8  }
0x19: {  	s5 =	sadd.s32 $0x27000, s5;
	s25 =	sadd.s32 $0x4E2F0, s2;
	[dreg:$0xd] =	wrdreg s11  }
0x1a: {  	s2 =	sadd.s32 $0x4E2A0, s2;
	s8 =	simm.s32 $0x1B180;
	[dreg:$0xf] =	wrdreg s13  }
0x1b: {  	s10 =	simm.s32 $0x4;
	s15 =	simm.s32 $0x0;
	[dreg:$0x12] =	wrdreg s5  }
0x1c: {  	s5 =	sshrl.u32 s24, $0x3;
	s26 =	sshrl.u32 s25, $0x3;
	s2 =	sshrl.u32 s2, $0x3  }
0x1d: {  	s25 =	simm.s32 $0x13880;
	s11 =	simm.s32 $0x2;
	s13 =	simm.s32 $0x3  }
0x1e: {  	s22 =	sadd.s32 s5, s0;
	s23 =	sadd.s32 s26, s0;
	s24 =	sadd.s32 s2, s0  }
0x1f: {  	v0 =	vimm.f32 $0.0e+00;
	s26 =	simm.s32 $0x7;
	s0 =	simm.s32 $0x18980;
	s2 =	simm.s32 $0x1D980  }
.LBB2_1:
0x20: {  	s5 =	rddreg [dreg:$0x5]  }
0x21: {  	[tilespmem:s25], [sflag:$0x7] =	stream.linear.gather [hbm4b:s5+s4], $0x2710, $0x38;
	[tilespmem:$0x1F980] =	vst v63  }
0x22: {  	_ =	swait.ge [sflag:s26], $0x2710  }
0x23: {  	[sflag:s26] =	ssyncset.done $0x0  }
0x24: {  	s19 =	rddreg [dreg:$0x6];
	[sflag:s26] =	ssyncadd.s32 $0xFFFFD8F0  }
0x25: {  	[tilespmem:s28], [sflag:$0x4] =	stream.linear.gather [hbm4b:s19+s4], $0x50, $0x38;
	[tilespmem:$0x1F980] =	vst v63  }
0x26: {  	_ = 	snop  }
0x27: {  	[tilespmem:s30], [sflag:$0x1] =	stream.indirect.gather [hbm4b:s1+s29], $0x80, s25, s29, $0xb8;
	[tilespmem:$0x1F980] =	vst v63  }
0x28: {  	s20 =	rddreg [dreg:$0x7]  }
0x29: {  	[tilespmem:s31], [sflag:$0x5] =	stream.linear.gather [hbm4b:s20+s4], $0x50, $0x38;
	[tilespmem:$0x1F980] =	vst v63  }
0x2a: {  	s21 =	simm.s32 $0x138D0;
	s16 =	simm.s32 $0x0;
	s17 =	simm.s32 $0x200  }
0x2b: {  	[tilespmem:s0], [sflag:$0x2] =	stream.indirect.gather [hbm4b:s1+s29], $0x80, s21, s29, $0xb8;
	[tilespmem:$0x1F980] =	vst v63  }
.LBB2_2:
0x2c: {  	p1 =	sne.s32 s17, $0x7E00;
	[tilespmem:s16+$0x1D9F0] =	vst v0  }
0x2d: {  	[tilespmem:s16+$0x1D980] =	vst v0  }
0x2e: {  	[tilespmem:s16+$0x1D990] =	vst v0  }
.Ltmp0:
0x2f: {  	[tilespmem:s16+$0x1D9A0] =	vst v0;
	(pc) =	sbr.rel @p1 .LBB2_2-.Ltmp0, $4  }
0x30: {  	[tilespmem:s16+$0x1D9B0] =	vst v0  }
0x31: {  	[tilespmem:s16+$0x1D9C0] =	vst v0  }
0x32: {  	[tilespmem:s16+$0x1D9D0] =	vst v0  }
0x33: {  	[tilespmem:s16+$0x1D9E0] =	vst v0;
	s16 =	sshra.s32 s17, $0x2;
	s17 =	sadd.s32 $0x200, s17  }
0x34: {  	[tilespmem:s16+$0x1D9F0] =	vst v0  }
0x35: {  	[tilespmem:s16+$0x1D980] =	vst v0  }
0x36: {  	[tilespmem:s16+$0x1D990] =	vst v0  }
0x37: {  	[tilespmem:s16+$0x1D9A0] =	vst v0  }
0x38: {  	[tilespmem:s16+$0x1D9B0] =	vst v0  }
0x39: {  	[tilespmem:s16+$0x1D9C0] =	vst v0  }
0x3a: {  	[tilespmem:s16+$0x1D9D0] =	vst v0  }
0x3b: {  	[tilespmem:s16+$0x1D9E0] =	vst v0  }
0x3c: {  	[spmem:s6] =	stream.linear.scatter [tilespmem:s2], [sflag:$0x7], $0x2000, $0x38;
	[tilespmem:$0x1F980] =	vst v63  }
0x3d: {  	_ =	swait.ge [sflag:s26], $0x2000  }
0x3e: {  	[sflag:s26] =	ssyncset.done $0x0  }
0x3f: {  	s5 =	rddreg [dreg:$0x8];
	[sflag:s26] =	ssyncadd.s32 $0xFFFFE000  }
0x40: {  	[spmem:s5] =	stream.linear.scatter [tilespmem:s2], [sflag:$0x7], $0x2000, $0x38;
	[tilespmem:$0x1F980] =	vst v63  }
0x41: {  	_ =	swait.ge [sflag:s26], $0x2000  }
0x42: {  	[sflag:s26] =	ssyncset.done $0x0  }
0x43: {  	s17 =	rddreg [dreg:$0x9];
	[sflag:s26] =	ssyncadd.s32 $0xFFFFE000  }
0x44: {  	[spmem:s17] =	stream.linear.scatter [tilespmem:s2], [sflag:$0x7], $0x2000, $0x38;
	[tilespmem:$0x1F980] =	vst v63  }
0x45: {  	_ =	swait.ge [sflag:s26], $0x2000  }
0x46: {  	[sflag:s26] =	ssyncset.done $0x0  }
0x47: {  	s19 =	rddreg [dreg:$0xa];
	[sflag:s26] =	ssyncadd.s32 $0xFFFFE000  }
0x48: {  	[spmem:s19] =	stream.linear.scatter [tilespmem:s2], [sflag:$0x7], $0x2000, $0x38;
	[tilespmem:$0x1F980] =	vst v63  }
0x49: {  	_ =	swait.ge [sflag:s26], $0x2000  }
0x4a: {  	[sflag:s26] =	ssyncset.done $0x0  }
0x4b: {  	s20 =	rddreg [dreg:$0xb];
	[sflag:s26] =	ssyncadd.s32 $0xFFFFE000  }
0x4c: {  	[spmem:s20] =	stream.linear.scatter [tilespmem:s2], [sflag:$0x7], $0x2000, $0x38;
	[tilespmem:$0x1F980] =	vst v63  }
0x4d: {  	_ =	swait.ge [sflag:s26], $0x2000  }
0x4e: {  	[sflag:s26] =	ssyncset.done $0x0  }
0x4f: {  	s21 =	rddreg [dreg:$0xc];
	[sflag:s26] =	ssyncadd.s32 $0xFFFFE000  }
0x50: {  	[spmem:s21] =	stream.linear.scatter [tilespmem:s2], [sflag:$0x7], $0x2000, $0x38;
	[tilespmem:$0x1F980] =	vst v63  }
0x51: {  	_ =	swait.ge [sflag:s26], $0x2000  }
0x52: {  	[sflag:s26] =	ssyncset.done $0x0  }
0x53: {  	s16 =	rddreg [dreg:$0xd];
	[sflag:s26] =	ssyncadd.s32 $0xFFFFE000  }
0x54: {  	[spmem:s16] =	stream.linear.scatter [tilespmem:s2], [sflag:$0x7], $0x2000, $0x38;
	[tilespmem:$0x1F980] =	vst v63  }
0x55: {  	_ =	swait.ge [sflag:s26], $0x2000  }
0x56: {  	[sflag:s26] =	ssyncset.done $0x0  }
0x57: {  	s17 =	rddreg [dreg:$0xe];
	[sflag:s26] =	ssyncadd.s32 $0xFFFFE000  }
0x58: {  	[spmem:s17] =	stream.linear.scatter [tilespmem:s2], [sflag:$0x7], $0x2000, $0x38;
	[tilespmem:$0x1F980] =	vst v63  }
0x59: {  	_ =	swait.ge [sflag:s26], $0x2000  }
0x5a: {  	[sflag:s26] =	ssyncset.done $0x0  }
0x5b: {  	s19 =	rddreg [dreg:$0xf];
	[sflag:s26] =	ssyncadd.s32 $0xFFFFE000  }
0x5c: {  	[spmem:s19] =	stream.linear.scatter [tilespmem:s2], [sflag:$0x7], $0x2000, $0x38;
	[tilespmem:$0x1F980] =	vst v63  }
0x5d: {  	_ =	swait.ge [sflag:s26], $0x2000  }
0x5e: {  	[sflag:s26] =	ssyncset.done $0x0  }
0x5f: {  	s20 =	rddreg [dreg:$0x10];
	[sflag:s26] =	ssyncadd.s32 $0xFFFFE000  }
0x60: {  	[spmem:s20] =	stream.linear.scatter [tilespmem:s2], [sflag:$0x7], $0x1800, $0x38;
	[tilespmem:$0x1F980] =	vst v63  }
0x61: {  	_ =	swait.ge [sflag:s26], $0x1800  }
0x62: {  	[sflag:s26] =	ssyncset.done $0x0  }
0x63: {  	s5 =	simm.s32 @!p0 $0x1D980;
	[sflag:s26] =	ssyncadd.s32 $0xFFFFE800  }
0x64: {  	[spmem:s18] =	stream.linear.scatter @!p0 [tilespmem:s5], [sflag:$0x7], $0x800, $0x38;
	[tilespmem:$0x1F980] =	vst v63  }
0x65: {  	s5 =	simm.s32 @!p0 $0x7  }
0x66: {  	_ =	swait.ge @!p0 [sflag:s5], $0x800  }
0x67: {  	[sflag:s5] =	ssyncset.done @!p0 $0x0  }
0x68: {  	[sflag:s5] =	ssyncadd.s32 @!p0 $0xFFFFF800  }
0x69: {  	s21 =	sadd.s32 $0x0, s24;
	[bflag:$0x0] =	sbarrier.arrive $0xFFFF  }
0x6a: {  	[tilespmem:s7], [sflag:$0x6] =	stream.linear.gather [hbm4b:s21+s4], $0x50, $0x38;
	[tilespmem:$0x1F980] =	vst v63  }
0x6b: {  	s16 =	simm.s32 $0x13920  }
0x6c: {  	[tilespmem:s8], [sflag:$0x3] =	stream.indirect.gather [hbm4b:s1+s29], $0x80, s16, s29, $0xb8;
	[tilespmem:$0x1F980] =	vst v63  }
0x6d: {  	_ =	swait.ge [sflag:s9], $0x2800  }
0x6e: {  	[sflag:s9] =	ssyncset.done $0x0  }
0x6f: {  	[sflag:s9] =	ssyncadd.s32 $0xFFFFD800  }
0x70: {  	_ =	swait.ge [sflag:s10], $0x50  }
0x71: {  	[sflag:s10] =	ssyncset.done $0x0  }
0x72: {  	[sflag:s10] =	ssyncadd.s32 $0xFFFFFFB0  }
0x73: {  	[spmem:s3] =	stream.indirect.scatter.add.f32 [tilespmem:s30], [sflag:$0x7], $0x80, s28, s29, $0xb8;
	[tilespmem:$0x1F980] =	vst v63  }
0x74: {  	_ =	swait.ge [sflag:s26], $0x2800  }
0x75: {  	[sflag:s26] =	ssyncset.done $0x0  }
0x76: {  	s17 =	sadd.s32 $0x0, s23;
	[sflag:s26] =	ssyncadd.s32 $0xFFFFD800  }
0x77: {  	[tilespmem:s28], [sflag:$0x4] =	stream.linear.gather [hbm4b:s17+s4], $0x50, $0x38;
	[tilespmem:$0x1F980] =	vst v63  }
0x78: {  	s19 =	simm.s32 $0x13970  }
0x79: {  	[tilespmem:s30], [sflag:$0x1] =	stream.indirect.gather [hbm4b:s1+s29], $0x80, s19, s29, $0xb8;
	[tilespmem:$0x1F980] =	vst v63  }
0x7a: {  	_ =	swait.ge [sflag:s11], $0x2800  }
0x7b: {  	[sflag:s11] =	ssyncset.done $0x0  }
0x7c: {  	[sflag:s11] =	ssyncadd.s32 $0xFFFFD800  }
0x7d: {  	_ =	swait.ge [sflag:s12], $0x50  }
0x7e: {  	[sflag:s12] =	ssyncset.done $0x0  }
0x7f: {  	[sflag:s12] =	ssyncadd.s32 $0xFFFFFFB0  }
0x80: {  	[spmem:s3] =	stream.indirect.scatter.add.f32 [tilespmem:s0], [sflag:$0x7], $0x80, s31, s29, $0xb8;
	[tilespmem:$0x1F980] =	vst v63  }
0x81: {  	_ =	swait.ge [sflag:s26], $0x2800  }
0x82: {  	[sflag:s26] =	ssyncset.done $0x0  }
0x83: {  	s20 =	sadd.s32 $0x0, s22;
	[sflag:s26] =	ssyncadd.s32 $0xFFFFD800  }
0x84: {  	[tilespmem:s31], [sflag:$0x5] =	stream.linear.gather [hbm4b:s20+s4], $0x50, $0x38;
	[tilespmem:$0x1F980] =	vst v63  }
0x85: {  	s21 =	simm.s32 $0x139C0  }
0x86: {  	[tilespmem:s0], [sflag:$0x2] =	stream.indirect.gather [hbm4b:s1+s29], $0x80, s21, s29, $0xb8;
	[tilespmem:$0x1F980] =	vst v63  }
0x87: {  	_ =	swait.ge [sflag:s13], $0x2800  }
0x88: {  	[sflag:s13] =	ssyncset.done $0x0  }
0x89: {  	[sflag:s13] =	ssyncadd.s32 $0xFFFFD800  }
0x8a: {  	_ =	swait.ge [sflag:s14], $0x50  }
0x8b: {  	[sflag:s14] =	ssyncset.done $0x0  }
0x8c: {  	[sflag:s14] =	ssyncadd.s32 $0xFFFFFFB0  }
0x8d: {  	[spmem:s3] =	stream.indirect.scatter.add.f32 [tilespmem:s8], [sflag:$0x7], $0x80, s7, s29, $0xb8;
	[tilespmem:$0x1F980] =	vst v63  }
0x8e: {  	s16 =	simm.s32 $0x1E;
	_ =	swait.ge [sflag:s26], $0x2800  }
0x8f: {  	s17 =	simm.s32 $0x13AB0;
	s19 =	simm.s32 $0x3C;
	[sflag:s26] =	ssyncset.done $0x0  }
.LBB2_4:
0x90: {  	s20 =	sadd.s32 s16, s24  }
0x91: {  	[sflag:s26] =	ssyncadd.s32 $0xFFFFD800;
	s21 =	smov.u32 s19;
	s5 =	sadd.s32 $0x1E, s19  }
0x92: {  	[tilespmem:s7], [sflag:$0x6] =	stream.linear.gather [hbm4b:s20+s4], $0x50, $0x38;
	[tilespmem:$0x1F980] =	vst v63  }
0x93: {  	p1 =	sne.s32 s19, $0x4B0;
	s19 =	sadd.s32 $0xFFFFFF60, s17  }
0x94: {  	[tilespmem:s8], [sflag:$0x3] =	stream.indirect.gather [hbm4b:s1+s29], $0x80, s19, s29, $0xb8;
	[tilespmem:$0x1F980] =	vst v63  }
0x95: {  	_ =	swait.ge [sflag:s9], $0x2800  }
0x96: {  	[sflag:s9] =	ssyncset.done $0x0  }
0x97: {  	[sflag:s9] =	ssyncadd.s32 $0xFFFFD800  }
0x98: {  	_ =	swait.ge [sflag:s10], $0x50  }
0x99: {  	[sflag:s10] =	ssyncset.done $0x0  }
0x9a: {  	[sflag:s10] =	ssyncadd.s32 $0xFFFFFFB0  }
0x9b: {  	[spmem:s3] =	stream.indirect.scatter.add.f32 [tilespmem:s30], [sflag:$0x7], $0x80, s28, s29, $0xb8;
	[tilespmem:$0x1F980] =	vst v63  }
0x9c: {  	_ =	swait.ge [sflag:s26], $0x2800  }
0x9d: {  	[sflag:s26] =	ssyncset.done $0x0  }
0x9e: {  	s19 =	sadd.s32 s16, s23;
	[sflag:s26] =	ssyncadd.s32 $0xFFFFD800  }
0x9f: {  	[tilespmem:s28], [sflag:$0x4] =	stream.linear.gather [hbm4b:s19+s4], $0x50, $0x38;
	[tilespmem:$0x1F980] =	vst v63  }
0xa0: {  	s19 =	sadd.s32 $0xFFFFFFB0, s17  }
0xa1: {  	[tilespmem:s30], [sflag:$0x1] =	stream.indirect.gather [hbm4b:s1+s29], $0x80, s19, s29, $0xb8;
	[tilespmem:$0x1F980] =	vst v63  }
0xa2: {  	_ =	swait.ge [sflag:s11], $0x2800  }
0xa3: {  	[sflag:s11] =	ssyncset.done $0x0  }
0xa4: {  	[sflag:s11] =	ssyncadd.s32 $0xFFFFD800  }
0xa5: {  	_ =	swait.ge [sflag:s12], $0x50  }
0xa6: {  	[sflag:s12] =	ssyncset.done $0x0  }
0xa7: {  	[sflag:s12] =	ssyncadd.s32 $0xFFFFFFB0  }
0xa8: {  	[spmem:s3] =	stream.indirect.scatter.add.f32 [tilespmem:s0], [sflag:$0x7], $0x80, s31, s29, $0xb8;
	[tilespmem:$0x1F980] =	vst v63  }
0xa9: {  	_ =	swait.ge [sflag:s26], $0x2800  }
0xaa: {  	[sflag:s26] =	ssyncset.done $0x0  }
0xab: {  	s19 =	sadd.s32 s16, s22;
	s16 =	smov.u32 s21;
	[sflag:s26] =	ssyncadd.s32 $0xFFFFD800  }
0xac: {  	[tilespmem:s31], [sflag:$0x5] =	stream.linear.gather [hbm4b:s19+s4], $0x50, $0x38;
	[tilespmem:$0x1F980] =	vst v63  }
0xad: {  	_ = 	snop  }
0xae: {  	[tilespmem:s0], [sflag:$0x2] =	stream.indirect.gather [hbm4b:s1+s29], $0x80, s17, s29, $0xb8;
	[tilespmem:$0x1F980] =	vst v63  }
0xaf: {  	_ =	swait.ge [sflag:s13], $0x2800  }
0xb0: {  	[sflag:s13] =	ssyncset.done $0x0  }
0xb1: {  	[sflag:s13] =	ssyncadd.s32 $0xFFFFD800  }
0xb2: {  	_ =	swait.ge [sflag:s14], $0x50  }
.Ltmp1:
0xb3: {  	[sflag:s14] =	ssyncset.done $0x0;
	(pc) =	sbr.rel @p1 .LBB2_4-.Ltmp1, $4  }
0xb4: {  	[sflag:s14] =	ssyncadd.s32 $0xFFFFFFB0  }
0xb5: {  	[spmem:s3] =	stream.indirect.scatter.add.f32 [tilespmem:s8], [sflag:$0x7], $0x80, s7, s29, $0xb8;
	[tilespmem:$0x1F980] =	vst v63  }
0xb6: {  	_ =	swait.ge [sflag:s26], $0x2800  }
0xb7: {  	s19 =	smov.u32 s5;
	s17 =	sadd.s32 $0xF0, s17;
	[sflag:s26] =	ssyncset.done $0x0  }
0xb8: {  	s5 =	sadd.s32 s16, s24;
	[sflag:s26] =	ssyncadd.s32 $0xFFFFD800  }
0xb9: {  	[tilespmem:s7], [sflag:$0x6] =	stream.linear.gather [hbm4b:s5+s4], $0x50, $0x38;
	[tilespmem:$0x1F980] =	vst v63  }
0xba: {  	s19 =	sadd.s32 $0xFFFFFF60, s17  }
0xbb: {  	[tilespmem:s8], [sflag:$0x3] =	stream.indirect.gather [hbm4b:s1+s29], $0x80, s19, s29, $0xb8;
	[tilespmem:$0x1F980] =	vst v63  }
0xbc: {  	_ =	swait.ge [sflag:s9], $0x2800  }
0xbd: {  	[sflag:s9] =	ssyncset.done $0x0  }
0xbe: {  	[sflag:s9] =	ssyncadd.s32 $0xFFFFD800  }
0xbf: {  	_ =	swait.ge [sflag:s10], $0x50  }
0xc0: {  	[sflag:s10] =	ssyncset.done $0x0  }
0xc1: {  	[sflag:s10] =	ssyncadd.s32 $0xFFFFFFB0  }
0xc2: {  	[spmem:s3] =	stream.indirect.scatter.add.f32 [tilespmem:s30], [sflag:$0x7], $0x80, s28, s29, $0xb8;
	[tilespmem:$0x1F980] =	vst v63  }
0xc3: {  	_ =	swait.ge [sflag:s26], $0x2800  }
0xc4: {  	[sflag:s26] =	ssyncset.done $0x0  }
0xc5: {  	s20 =	sadd.s32 s16, s23;
	[sflag:s26] =	ssyncadd.s32 $0xFFFFD800  }
0xc6: {  	[tilespmem:s28], [sflag:$0x4] =	stream.linear.gather [hbm4b:s20+s4], $0x50, $0x38;
	[tilespmem:$0x1F980] =	vst v63  }
0xc7: {  	s21 =	sadd.s32 $0xFFFFFFB0, s17  }
0xc8: {  	[tilespmem:s30], [sflag:$0x1] =	stream.indirect.gather [hbm4b:s1+s29], $0x80, s21, s29, $0xb8;
	[tilespmem:$0x1F980] =	vst v63  }
0xc9: {  	_ =	swait.ge [sflag:s11], $0x2800  }
0xca: {  	[sflag:s11] =	ssyncset.done $0x0  }
0xcb: {  	[sflag:s11] =	ssyncadd.s32 $0xFFFFD800  }
0xcc: {  	_ =	swait.ge [sflag:s12], $0x50  }
0xcd: {  	[sflag:s12] =	ssyncset.done $0x0  }
0xce: {  	[sflag:s12] =	ssyncadd.s32 $0xFFFFFFB0  }
0xcf: {  	[spmem:s3] =	stream.indirect.scatter.add.f32 [tilespmem:s0], [sflag:$0x7], $0x80, s31, s29, $0xb8;
	[tilespmem:$0x1F980] =	vst v63  }
0xd0: {  	_ =	swait.ge [sflag:s26], $0x2800  }
0xd1: {  	[sflag:s26] =	ssyncset.done $0x0  }
0xd2: {  	s16 =	sadd.s32 s16, s22;
	[sflag:s26] =	ssyncadd.s32 $0xFFFFD800  }
0xd3: {  	[tilespmem:s31], [sflag:$0x5] =	stream.linear.gather [hbm4b:s16+s4], $0x50, $0x38;
	[tilespmem:$0x1F980] =	vst v63  }
0xd4: {  	_ = 	snop  }
0xd5: {  	[tilespmem:s0], [sflag:$0x2] =	stream.indirect.gather [hbm4b:s1+s29], $0x80, s17, s29, $0xb8;
	[tilespmem:$0x1F980] =	vst v63  }
0xd6: {  	_ =	swait.ge [sflag:s13], $0x2800  }
0xd7: {  	[sflag:s13] =	ssyncset.done $0x0  }
0xd8: {  	[sflag:s13] =	ssyncadd.s32 $0xFFFFD800  }
0xd9: {  	_ =	swait.ge [sflag:s14], $0x50  }
0xda: {  	[sflag:s14] =	ssyncset.done $0x0  }
0xdb: {  	[sflag:s14] =	ssyncadd.s32 $0xFFFFFFB0  }
0xdc: {  	[spmem:s3] =	stream.indirect.scatter.add.f32 [tilespmem:s8], [sflag:$0x7], $0x80, s7, s29, $0xb8;
	[tilespmem:$0x1F980] =	vst v63  }
0xdd: {  	_ =	swait.ge [sflag:s26], $0x2800  }
0xde: {  	[sflag:s26] =	ssyncset.done $0x0  }
0xdf: {  	[sflag:s26] =	ssyncadd.s32 $0xFFFFD800  }
0xe0: {  	_ =	swait.ge [sflag:s9], $0x2800  }
0xe1: {  	[sflag:s9] =	ssyncset.done $0x0  }
0xe2: {  	[sflag:s9] =	ssyncadd.s32 $0xFFFFD800  }
0xe3: {  	_ =	swait.ge [sflag:s10], $0x50  }
0xe4: {  	[sflag:s10] =	ssyncset.done $0x0  }
0xe5: {  	[sflag:s10] =	ssyncadd.s32 $0xFFFFFFB0  }
0xe6: {  	[spmem:s3] =	stream.indirect.scatter.add.f32 [tilespmem:s30], [sflag:$0x7], $0x80, s28, s29, $0xb8;
	[tilespmem:$0x1F980] =	vst v63  }
0xe7: {  	_ =	swait.ge [sflag:s26], $0x2800  }
0xe8: {  	[sflag:s26] =	ssyncset.done $0x0  }
0xe9: {  	[sflag:s26] =	ssyncadd.s32 $0xFFFFD800  }
0xea: {  	_ =	swait.ge [sflag:s11], $0x2800  }
0xeb: {  	[sflag:s11] =	ssyncset.done $0x0  }
0xec: {  	[sflag:s11] =	ssyncadd.s32 $0xFFFFD800  }
0xed: {  	_ =	swait.ge [sflag:s12], $0x50  }
0xee: {  	[sflag:s12] =	ssyncset.done $0x0  }
0xef: {  	[sflag:s12] =	ssyncadd.s32 $0xFFFFFFB0  }
0xf0: {  	[spmem:s3] =	stream.indirect.scatter.add.f32 [tilespmem:s0], [sflag:$0x7], $0x80, s31, s29, $0xb8;
	[tilespmem:$0x1F980] =	vst v63  }
0xf1: {  	_ =	swait.ge [sflag:s26], $0x2800  }
0xf2: {  	[sflag:s26] =	ssyncset.done $0x0  }
0xf3: {  	s17 =	stileid.u32;
	[sflag:s26] =	ssyncadd.s32 $0xFFFFD800  }
0xf4: {  	s5 =	sshll.u32 s17, $0x6;
	[bflag:$0x0] =	sbarrier.arrive $0xFFFF  }
0xf5: {  	s19 =	sshrl.u32 s6, $0x3;
	s5 =	sor.u32 $0x1C07, s5;
	s20 =	rddreg [dreg:$0x11]  }
0xf6: {  	[hbm:s20], [sflag:s5] =	dma.local [spmem:s19], $0x2700  }
0xf7: {  	_ =	swait.ge [sflag:s26], $0x2700  }
0xf8: {  	[sflag:s26] =	ssyncset.done $0x0  }
0xf9: {  	s16 =	sshrl.u32 @!p0 s18, $0x3;
	s17 =	rddreg [dreg:$0x12];
	[sflag:s26] =	ssyncadd.s32 $0xFFFFD900  }
0xfa: {  	[hbm:s17], [sflag:s5] =	dma.local @!p0 [spmem:s16], $0x100  }
0xfb: {  	s5 =	simm.s32 @!p0 $0x7  }
0xfc: {  	_ =	swait.ge @!p0 [sflag:s5], $0x100  }
0xfd: {  	s15 =	sadd.s32 $0x1, s15;
	s21 =	rddreg [dreg:$0x13]  }
0xfe: {  	p1 =	sne.s32 s15, s21  }
.Ltmp2:
0xff: {  	_ = 	snop;
	(pc) =	sbr.rel @p1 .LBB2_1-.Ltmp2, $3  }
0x100: {  	_ =	sdelay $0x1  }
0x101: {  	[sflag:s5] =	ssyncset.done @!p0 $0x0  }
0x102: {  	[sflag:s5] =	ssyncadd.s32 @!p0 $0xFFFFFF00  }
0x103: {  	_ =	sfence.sel $0x180000  }
0x104: {  	[bflag:$0x0] =	sbarrier.arrive $0xFFFF  }
0x105: {  	_ =	strace $0x90000047  }
0x106: {  	s0 =	stileid.u32;
	[bflag:$0x2] =	sbarrier.arrive $0xFFFF  }
0x107: {  	p0 =	sne.s32 s0, $0x0;
	s0 =	rddreg [dreg:$0x4]  }
0x108: {  	s0 =	sadd.s32 @!p0 $0x100000, s0  }
0x109: {  	[sflag:s0] =	ssyncadd.tile.s32 @!p0 $0x1;
	_ =	shalt  }
.Lfunc_end2:
_tile_overlayer_lowered:
.L_overlay_start_2:
0x10a: {  	(tag) =	ssettag $0x2  }
0x10b: {  	s0 =	rddreg [dreg:$0x0];
	s2 =	stileid.u32  }
0x10c: {  	s1 =	rddreg [dreg:$0x1];
	p0 =	sne.s32 s2, $0x0  }
0x10d: {  	s3 =	rddreg [dreg:$0x2];
	[bflag:$0x3] =	sbarrier.arrive $0xFFFF;
	s2 =	simm.s32 @!p0 $0x1C07  }
0x10e: {  	[timem:s3], [sflag:s2] =	dma.local @!p0 [hbm:s0], s1  }
0x10f: {  	s0 =	simm.s32 @!p0 $0x7  }
0x110: {  	_ =	swait.ge @!p0 [sflag:s0], s1  }
0x111: {  	s1 =	ssub.s32 @!p0 $0x0, s1;
	[sflag:s0] =	ssyncset.done @!p0 $0x0  }
0x112: {  	[sflag:s0] =	ssyncadd.s32 @!p0 s1  }
0x113: {  	[bflag:$0x3] =	sbarrier.arrive $0xFFFF  }
0x114: {  	_ =	shalt  }

</sc_bundles>
